<compile_context>
chip_gen: v7x
topology: tpu7x:2x2x1
jax: 0.10.2.dev20260603
libtpu: 0.0.44.dev20260713+nightly
codegen_flags: <defaults>
</compile_context>

<pallas_src>
import jax
import jax.numpy as jnp
from jax import lax
from jax.experimental import pallas as pl
from jax.experimental.pallas import tpu as pltpu
from jax.experimental.pallas import tpu_sc as plsc

NUM_EMB = 1000000
DIM = 64
BATCH = 16384

NC = 2
NS = 16
NW = NC * NS
B_PER_W = BATCH // NW
NB = 11



def _row_scalar(idxs_v, n):
    lane = jnp.broadcast_to(n, (16,)).astype(jnp.int32)
    return jnp.max(plsc.load_gather(idxs_v, [lane]))


def _body(wt, x_hbm, o_hbm, idxs_v, tb_v, obuf_v, gsem, ssem):
    wid = lax.axis_index("s") * NC + lax.axis_index("c")
    base = wid * B_PER_W
    pltpu.sync_copy(x_hbm.at[pl.ds(base, B_PER_W)], idxs_v)

    def fetch(n):
        r = _row_scalar(idxs_v, n)
        off = pl.multiple_of((r >> 7) * 128, 128)
        s = lax.rem(n, NB)
        pltpu.async_copy(wt.at[:, pl.ds(off, 128)], tb_v.at[s], gsem.at[s])

    iota = lax.iota(jnp.int32, 16)

    def process(n):
        r = _row_scalar(idxs_v, n)
        off = pl.multiple_of((r >> 7) * 128, 128)
        s = lax.rem(n, NB)
        pltpu.make_async_copy(
            wt.at[:, pl.ds(off, 128)], tb_v.at[s], gsem.at[s]
        ).wait()
        rl = jnp.broadcast_to(r & 127, (16,)).astype(jnp.int32)
        sv = jnp.broadcast_to(s, (16,))
        m = n >> 7
        lane = n & 127
        pobase = m * 1024 + lane
        for k in range(4):
            c = 16 * k + iota
            vals = plsc.load_gather(tb_v, [sv, c, rl])
            pos = (c >> 3) * 4096 + (c & 7) * 128 + pobase
            plsc.store_scatter(obuf_v, [pos], vals)

    def prologue(n, c):
        fetch(n)
        return c

    def steady(n, c):
        process(n)
        fetch(n + NB)
        return c

    def tail(n, c):
        process(n)
        return c

    lax.fori_loop(0, NB, prologue, 0)
    lax.fori_loop(0, B_PER_W - NB, steady, 0)
    lax.fori_loop(B_PER_W - NB, B_PER_W, tail, 0)

    def sloop(s, c):
        ch = s >> 2
        m = s & 3
        off = ch * (BATCH * 8) + (wid * 4 + m) * 1024
        pltpu.async_copy(
            obuf_v.at[pl.ds(s * 1024, 1024)], o_hbm.at[pl.ds(off, 1024)], ssem
        )
        return c

    lax.fori_loop(0, 32, sloop, 0)
    pltpu.make_async_copy(
        o_hbm.at[pl.ds(0, 32768)], o_hbm.at[pl.ds(0, 32768)], ssem
    ).wait()


@jax.jit
def kernel(x, weight):
    xi = x.astype(jnp.int32)
    wt = weight.T
    mesh = plsc.VectorSubcoreMesh(core_axis_name="c", subcore_axis_name="s")
    fn = pl.kernel(
        _body,
        out_type=jax.ShapeDtypeStruct((BATCH * DIM,), jnp.float32),
        mesh=mesh,
        scratch_types=[
            pltpu.VMEM((B_PER_W,), jnp.int32),
            pltpu.VMEM((NB, DIM, 128), jnp.float32),
            pltpu.VMEM((B_PER_W * DIM,), jnp.float32),
            pltpu.SemaphoreType.DMA((NB,)),
            pltpu.SemaphoreType.DMA,
        ],
        compiler_params=pltpu.CompilerParams(
            use_tc_tiling_on_sc=True, needs_layout_passes=False
        ),
    )
    oflat = fn(wt, xi)
    return (
        oflat.reshape(DIM // 8, BATCH // 128, 8, 128)
        .transpose(1, 3, 0, 2)
        .reshape(BATCH, DIM)
    )

# --- scband reference (transcript-rebuilt; emitter-appended) ---
"""Pipeline reference for scband-vocab-parallel-embedding-2680059593176 (READ-ONLY COPY).

The authoritative reference and input builder live on the scoring server;
editing this copy changes nothing except your own understanding.
"""

import jax, jax.numpy as jnp
import numpy as np

NUM_EMBEDDINGS = 1000000
EMBEDDING_DIM = 64
BATCH = 16384


def setup_inputs(seed: int = 0) -> dict:
    key = jax.random.key(seed)
    k_idx, k_w = jax.random.split(key)
    x = jax.random.randint(k_idx, (BATCH,), 0, NUM_EMBEDDINGS, dtype=jnp.int64) if jax.config.jax_enable_x64 else jax.random.randint(k_idx, (BATCH,), 0, NUM_EMBEDDINGS, dtype=jnp.int32)
    weight = jax.random.normal(k_w, (NUM_EMBEDDINGS, EMBEDDING_DIM), dtype=jnp.float32) * 0.02
    return {"x": x, "weight": weight}


def reference(x, weight):
    # Single-rank (tp_size == 1) path of VocabParallelEmbedding:
    # plain embedding lookup: y = F.embedding(x, weight)
    y = jnp.take(weight, x, axis=0)
    return y

if __name__ == "__main__":
    import jax
    _d = setup_inputs()
    print(jax.jit(kernel)(*tuple(_d.values())))

</pallas_src>

<mosaic_0001>
#map = affine_map<(d0, d1) -> (0, 0)>
#map1 = affine_map<(d0, d1) -> (0)>
module attributes {stable_mosaic.version = 14 : i64} {
  func.func @_body(%arg0: i32, %arg1: i32, %arg2: memref<64x1000000xf32, #tpu.memory_space<hbm>>, %arg3: memref<16384xi32, #tpu.memory_space<hbm>>, %arg4: memref<1048576xf32, #tpu.memory_space<hbm>>, %arg5: memref<512xi32, #tpu.memory_space<vmem>>, %arg6: memref<11x64x128xf32, #tpu.memory_space<vmem>>, %arg7: memref<32768xf32, #tpu.memory_space<vmem>>, %arg8: memref<11x!tpu.dma_semaphore, #tpu.memory_space<semaphore_mem>>, %arg9: memref<!tpu.dma_semaphore, #tpu.memory_space<semaphore_mem>>) attributes {dimension_semantics = [#tpu.dimension_semantics<core_parallel>, #tpu.dimension_semantics<subcore_parallel>], iteration_bounds = array<i64: 2, 16>, scalar_prefetch = 0 : i64, scratch_operands = 5 : i64, tpu.core_type = #tpu.core_type<sc_vector_subcore>, window_params = [{transform_indices = #map}, {transform_indices = #map1}, {transform_indices = #map1}]} {
    %mul3A = arith.constant 2 : i32
    %mul3A_0 = arith.muli %arg1, %mul3A : i32
    %add3A = arith.addi %mul3A_0, %arg0 : i32
    %mul3A_1 = arith.constant 512 : i32
    %mul3A_2 = arith.muli %add3A, %mul3A_1 : i32
    "tpu.region"() ({
      %run_scoped3A = tpu.sem_alloc : memref<!tpu.dma_semaphore, #tpu.memory_space<semaphore_mem>>
      %dma_start3A = tpu.memref_slice %arg3[%mul3A_2] : memref<16384xi32, #tpu.memory_space<hbm>> -> memref<512xi32, #tpu.memory_space<hbm>>
      %dma_start3A_29 = tpu.memref_slice %arg3[%mul3A_2] : memref<16384xi32, #tpu.memory_space<hbm>> -> memref<512xi32, #tpu.memory_space<hbm>>
      tpu.enqueue_dma source(%dma_start3A_29 : memref<512xi32, #tpu.memory_space<hbm>>) target(%arg5 : memref<512xi32, #tpu.memory_space<vmem>>) target_semaphore(%run_scoped3A : memref<!tpu.dma_semaphore, #tpu.memory_space<semaphore_mem>>)
      %dma_wait3A_30 = tpu.memref_slice %arg3[%mul3A_2] : memref<16384xi32, #tpu.memory_space<hbm>> -> memref<512xi32, #tpu.memory_space<hbm>>
      %dma_wait3A_31 = tpu.memref_slice %arg3[%mul3A_2] : memref<16384xi32, #tpu.memory_space<hbm>> -> memref<512xi32, #tpu.memory_space<hbm>>
      tpu.wait_dma2 semaphore(%run_scoped3A : memref<!tpu.dma_semaphore, #tpu.memory_space<semaphore_mem>>) src(%dma_wait3A_31 : memref<512xi32, #tpu.memory_space<hbm>>) dst(%arg5 : memref<512xi32, #tpu.memory_space<vmem>>)
      tpu.yield
    }) : () -> ()
    %iota3A = tpu.iota {dimensions = array<i32: 0>} : vector<16xi32>
    %scan3A = arith.constant 0 : i32
    %scan3A_3 = arith.constant 0 : i32
    %scan3A_4 = arith.constant 11 : i32
    %scan3A_5 = arith.addi %scan3A_3, %scan3A_4 : i32
    %scan3A_6 = arith.constant 1 : i32
    scf.for %scan3A_29 = %scan3A_3 to %scan3A_5 step %scan3A_6  : i32 {
      %broadcast_in_dim3A = vector.broadcast %scan3A_29 : i32 to vector<16xi32>
      %gather3A = tpu.vector_load_idx %arg5[%broadcast_in_dim3A] : memref<512xi32, #tpu.memory_space<vmem>>[vector<16xi32>], vector<16xi32>,
      %reduce_max3A = arith.constant true
      %reduce_max3A_30 = vector.broadcast %reduce_max3A : i1 to vector<16xi1>
      %reduce_max3A_31 = arith.constant -2147483648 : i32
      %reduce_max3A_32 = vector.broadcast %reduce_max3A_31 : i32 to vector<16xi32>
      %reduce_max3A_33 = arith.xori %gather3A, %reduce_max3A_32 : vector<16xi32>
      %reduce_max3A_34 = tpu.scan <max>, %reduce_max3A_33 masked %reduce_max3A_30 : vector<16xi32>, vector<16xi1> -> vector<16xi32>
      %reduce_max3A_35 = arith.xori %reduce_max3A_34, %reduce_max3A_32 : vector<16xi32>
      %reduce_max3A_36 = vector.extract %reduce_max3A_35[15] : i32 from vector<16xi32>
      %shift_right_arithmetic3A = arith.constant 7 : i32
      %shift_right_arithmetic3A_37 = arith.shrsi %reduce_max3A_36, %shift_right_arithmetic3A : i32
      %mul3A_38 = arith.constant 128 : i32
      %mul3A_39 = arith.muli %shift_right_arithmetic3A_37, %mul3A_38 : i32
      %multiple_of3A = tpu.assume_multiple %mul3A_39, 128 : i32
      %rem3A = arith.constant 11 : i32
      %rem3A_40 = arith.remsi %scan3A_29, %rem3A : i32
      %dma_start3A = arith.constant 0 : i32
      %dma_start3A_41 = arith.constant 0 : i32
      %dma_start3A_42 = tpu.memref_slice %arg6[%rem3A_40, %dma_start3A, %dma_start3A_41] : memref<11x64x128xf32, #tpu.memory_space<vmem>> -> memref<1x64x128xf32, #tpu.memory_space<vmem>>
      %dma_start3A_43 = tpu.memref_squeeze %dma_start3A_42 : memref<1x64x128xf32, #tpu.memory_space<vmem>> -> memref<64x128xf32, #tpu.memory_space<vmem>>
      %dma_start3A_44 = arith.constant 0 : i32
      %dma_start3A_45 = tpu.memref_slice %arg2[%dma_start3A_44, %multiple_of3A] : memref<64x1000000xf32, #tpu.memory_space<hbm>> -> memref<64x128xf32, #tpu.memory_space<hbm>>
      %dma_start3A_46 = tpu.memref_slice %arg8[%rem3A_40] : memref<11x!tpu.dma_semaphore, #tpu.memory_space<semaphore_mem>> -> memref<1x!tpu.dma_semaphore, #tpu.memory_space<semaphore_mem>>
      %dma_start3A_47 = tpu.memref_squeeze %dma_start3A_46 : memref<1x!tpu.dma_semaphore, #tpu.memory_space<semaphore_mem>> -> memref<!tpu.dma_semaphore, #tpu.memory_space<semaphore_mem>>
      %dma_start3A_48 = arith.constant 0 : i32
      %dma_start3A_49 = arith.constant 0 : i32
      %dma_start3A_50 = tpu.memref_slice %arg6[%rem3A_40, %dma_start3A_48, %dma_start3A_49] : memref<11x64x128xf32, #tpu.memory_space<vmem>> -> memref<1x64x128xf32, #tpu.memory_space<vmem>>
      %dma_start3A_51 = tpu.memref_squeeze %dma_start3A_50 : memref<1x64x128xf32, #tpu.memory_space<vmem>> -> memref<64x128xf32, #tpu.memory_space<vmem>>
      %dma_start3A_52 = arith.constant 0 : i32
      %dma_start3A_53 = tpu.memref_slice %arg2[%dma_start3A_52, %multiple_of3A] : memref<64x1000000xf32, #tpu.memory_space<hbm>> -> memref<64x128xf32, #tpu.memory_space<hbm>>
      tpu.enqueue_dma source(%dma_start3A_53 : memref<64x128xf32, #tpu.memory_space<hbm>>) target(%dma_start3A_51 : memref<64x128xf32, #tpu.memory_space<vmem>>) target_semaphore(%dma_start3A_47 : memref<!tpu.dma_semaphore, #tpu.memory_space<semaphore_mem>>)
    }
    %scan3A_7 = arith.constant 11 : i32
    %scan3A_8 = arith.constant 0 : i32
    %scan3A_9 = arith.constant 0 : i32
    %scan3A_10 = arith.constant 501 : i32
    %scan3A_11 = arith.addi %scan3A_9, %scan3A_10 : i32
    %scan3A_12 = arith.constant 1 : i32
    scf.for %scan3A_29 = %scan3A_9 to %scan3A_11 step %scan3A_12  : i32 {
      %broadcast_in_dim3A = vector.broadcast %scan3A_29 : i32 to vector<16xi32>
      %gather3A = tpu.vector_load_idx %arg5[%broadcast_in_dim3A] : memref<512xi32, #tpu.memory_space<vmem>>[vector<16xi32>], vector<16xi32>,
      %reduce_max3A = arith.constant true
      %reduce_max3A_30 = vector.broadcast %reduce_max3A : i1 to vector<16xi1>
      %reduce_max3A_31 = arith.constant -2147483648 : i32
      %reduce_max3A_32 = vector.broadcast %reduce_max3A_31 : i32 to vector<16xi32>
      %reduce_max3A_33 = arith.xori %gather3A, %reduce_max3A_32 : vector<16xi32>
      %reduce_max3A_34 = tpu.scan <max>, %reduce_max3A_33 masked %reduce_max3A_30 : vector<16xi32>, vector<16xi1> -> vector<16xi32>
      %reduce_max3A_35 = arith.xori %reduce_max3A_34, %reduce_max3A_32 : vector<16xi32>
      %reduce_max3A_36 = vector.extract %reduce_max3A_35[15] : i32 from vector<16xi32>
      %shift_right_arithmetic3A = arith.constant 7 : i32
      %shift_right_arithmetic3A_37 = arith.shrsi %reduce_max3A_36, %shift_right_arithmetic3A : i32
      %mul3A_38 = arith.constant 128 : i32
      %mul3A_39 = arith.muli %shift_right_arithmetic3A_37, %mul3A_38 : i32
      %multiple_of3A = tpu.assume_multiple %mul3A_39, 128 : i32
      %rem3A = arith.constant 11 : i32
      %rem3A_40 = arith.remsi %scan3A_29, %rem3A : i32
      %dma_wait3A_41 = arith.constant 0 : i32
      %dma_wait3A_42 = arith.constant 0 : i32
      %dma_wait3A_43 = tpu.memref_slice %arg6[%rem3A_40, %dma_wait3A_41, %dma_wait3A_42] : memref<11x64x128xf32, #tpu.memory_space<vmem>> -> memref<1x64x128xf32, #tpu.memory_space<vmem>>
      %dma_wait3A_44 = tpu.memref_squeeze %dma_wait3A_43 : memref<1x64x128xf32, #tpu.memory_space<vmem>> -> memref<64x128xf32, #tpu.memory_space<vmem>>
      %dma_wait3A_45 = arith.constant 0 : i32
      %dma_wait3A_46 = tpu.memref_slice %arg2[%dma_wait3A_45, %multiple_of3A] : memref<64x1000000xf32, #tpu.memory_space<hbm>> -> memref<64x128xf32, #tpu.memory_space<hbm>>
      %dma_wait3A_47 = tpu.memref_slice %arg8[%rem3A_40] : memref<11x!tpu.dma_semaphore, #tpu.memory_space<semaphore_mem>> -> memref<1x!tpu.dma_semaphore, #tpu.memory_space<semaphore_mem>>
      %dma_wait3A_48 = tpu.memref_squeeze %dma_wait3A_47 : memref<1x!tpu.dma_semaphore, #tpu.memory_space<semaphore_mem>> -> memref<!tpu.dma_semaphore, #tpu.memory_space<semaphore_mem>>
      %dma_wait3A_49 = arith.constant 0 : i32
      %dma_wait3A_50 = arith.constant 0 : i32
      %dma_wait3A_51 = tpu.memref_slice %arg6[%rem3A_40, %dma_wait3A_49, %dma_wait3A_50] : memref<11x64x128xf32, #tpu.memory_space<vmem>> -> memref<1x64x128xf32, #tpu.memory_space<vmem>>
      %dma_wait3A_52 = tpu.memref_squeeze %dma_wait3A_51 : memref<1x64x128xf32, #tpu.memory_space<vmem>> -> memref<64x128xf32, #tpu.memory_space<vmem>>
      %dma_wait3A_53 = arith.constant 0 : i32
      %dma_wait3A_54 = tpu.memref_slice %arg2[%dma_wait3A_53, %multiple_of3A] : memref<64x1000000xf32, #tpu.memory_space<hbm>> -> memref<64x128xf32, #tpu.memory_space<hbm>>
      tpu.wait_dma2 semaphore(%dma_wait3A_48 : memref<!tpu.dma_semaphore, #tpu.memory_space<semaphore_mem>>) src(%dma_wait3A_54 : memref<64x128xf32, #tpu.memory_space<hbm>>) dst(%dma_wait3A_52 : memref<64x128xf32, #tpu.memory_space<vmem>>)
      %and3A = arith.constant 127 : i32
      %and3A_55 = arith.andi %reduce_max3A_36, %and3A : i32
      %broadcast_in_dim3A_56 = vector.broadcast %and3A_55 : i32 to vector<16xi32>
      %broadcast_in_dim3A_57 = vector.broadcast %rem3A_40 : i32 to vector<16xi32>
      %shift_right_arithmetic3A_58 = arith.constant 7 : i32
      %shift_right_arithmetic3A_59 = arith.shrsi %scan3A_29, %shift_right_arithmetic3A_58 : i32
      %and3A_60 = arith.constant 127 : i32
      %and3A_61 = arith.andi %scan3A_29, %and3A_60 : i32
      %mul3A_62 = arith.constant 1024 : i32
      %mul3A_63 = arith.muli %shift_right_arithmetic3A_59, %mul3A_62 : i32
      %add3A_64 = arith.addi %mul3A_63, %and3A_61 : i32
      %add3A_65 = arith.constant 0 : i32
      %add3A_66 = vector.broadcast %add3A_65 : i32 to vector<16xi32>
      %add3A_67 = arith.addi %add3A_66, %iota3A : vector<16xi32>
      %gather3A_68 = tpu.vector_load_idx %arg6[%broadcast_in_dim3A_57, %add3A_67, %broadcast_in_dim3A_56] : memref<11x64x128xf32, #tpu.memory_space<vmem>>[vector<16xi32>, vector<16xi32>, vector<16xi32>], vector<16xf32>,
      %shift_right_arithmetic3A_69 = arith.constant 3 : i32
      %shift_right_arithmetic3A_70 = vector.broadcast %shift_right_arithmetic3A_69 : i32 to vector<16xi32>
      %shift_right_arithmetic3A_71 = arith.shrsi %add3A_67, %shift_right_arithmetic3A_70 : vector<16xi32>
      %mul3A_72 = arith.constant 4096 : i32
      %mul3A_73 = vector.broadcast %mul3A_72 : i32 to vector<16xi32>
      %mul3A_74 = arith.muli %shift_right_arithmetic3A_71, %mul3A_73 : vector<16xi32>
      %and3A_75 = arith.constant 7 : i32
      %and3A_76 = vector.broadcast %and3A_75 : i32 to vector<16xi32>
      %and3A_77 = arith.andi %add3A_67, %and3A_76 : vector<16xi32>
      %mul3A_78 = arith.constant 128 : i32
      %mul3A_79 = vector.broadcast %mul3A_78 : i32 to vector<16xi32>
      %mul3A_80 = arith.muli %and3A_77, %mul3A_79 : vector<16xi32>
      %add3A_81 = arith.addi %mul3A_74, %mul3A_80 : vector<16xi32>
      %add3A_82 = vector.broadcast %add3A_64 : i32 to vector<16xi32>
      %add3A_83 = arith.addi %add3A_81, %add3A_82 : vector<16xi32>
      tpu.vector_store_idx %arg7[%add3A_83], %gather3A_68 : memref<32768xf32, #tpu.memory_space<vmem>>[vector<16xi32>], vector<16xf32>,
      %add3A_84 = arith.constant 16 : i32
      %add3A_85 = vector.broadcast %add3A_84 : i32 to vector<16xi32>
      %add3A_86 = arith.addi %add3A_85, %iota3A : vector<16xi32>
      %gather3A_87 = tpu.vector_load_idx %arg6[%broadcast_in_dim3A_57, %add3A_86, %broadcast_in_dim3A_56] : memref<11x64x128xf32, #tpu.memory_space<vmem>>[vector<16xi32>, vector<16xi32>, vector<16xi32>], vector<16xf32>,
      %shift_right_arithmetic3A_88 = arith.constant 3 : i32
      %shift_right_arithmetic3A_89 = vector.broadcast %shift_right_arithmetic3A_88 : i32 to vector<16xi32>
      %shift_right_arithmetic3A_90 = arith.shrsi %add3A_86, %shift_right_arithmetic3A_89 : vector<16xi32>
      %mul3A_91 = arith.constant 4096 : i32
      %mul3A_92 = vector.broadcast %mul3A_91 : i32 to vector<16xi32>
      %mul3A_93 = arith.muli %shift_right_arithmetic3A_90, %mul3A_92 : vector<16xi32>
      %and3A_94 = arith.constant 7 : i32
      %and3A_95 = vector.broadcast %and3A_94 : i32 to vector<16xi32>
      %and3A_96 = arith.andi %add3A_86, %and3A_95 : vector<16xi32>
      %mul3A_97 = arith.constant 128 : i32
      %mul3A_98 = vector.broadcast %mul3A_97 : i32 to vector<16xi32>
      %mul3A_99 = arith.muli %and3A_96, %mul3A_98 : vector<16xi32>
      %add3A_100 = arith.addi %mul3A_93, %mul3A_99 : vector<16xi32>
      %add3A_101 = vector.broadcast %add3A_64 : i32 to vector<16xi32>
      %add3A_102 = arith.addi %add3A_100, %add3A_101 : vector<16xi32>
      tpu.vector_store_idx %arg7[%add3A_102], %gather3A_87 : memref<32768xf32, #tpu.memory_space<vmem>>[vector<16xi32>], vector<16xf32>,
      %add3A_103 = arith.constant 32 : i32
      %add3A_104 = vector.broadcast %add3A_103 : i32 to vector<16xi32>
      %add3A_105 = arith.addi %add3A_104, %iota3A : vector<16xi32>
      %gather3A_106 = tpu.vector_load_idx %arg6[%broadcast_in_dim3A_57, %add3A_105, %broadcast_in_dim3A_56] : memref<11x64x128xf32, #tpu.memory_space<vmem>>[vector<16xi32>, vector<16xi32>, vector<16xi32>], vector<16xf32>,
      %shift_right_arithmetic3A_107 = arith.constant 3 : i32
      %shift_right_arithmetic3A_108 = vector.broadcast %shift_right_arithmetic3A_107 : i32 to vector<16xi32>
      %shift_right_arithmetic3A_109 = arith.shrsi %add3A_105, %shift_right_arithmetic3A_108 : vector<16xi32>
      %mul3A_110 = arith.constant 4096 : i32
      %mul3A_111 = vector.broadcast %mul3A_110 : i32 to vector<16xi32>
      %mul3A_112 = arith.muli %shift_right_arithmetic3A_109, %mul3A_111 : vector<16xi32>
      %and3A_113 = arith.constant 7 : i32
      %and3A_114 = vector.broadcast %and3A_113 : i32 to vector<16xi32>
      %and3A_115 = arith.andi %add3A_105, %and3A_114 : vector<16xi32>
      %mul3A_116 = arith.constant 128 : i32
      %mul3A_117 = vector.broadcast %mul3A_116 : i32 to vector<16xi32>
      %mul3A_118 = arith.muli %and3A_115, %mul3A_117 : vector<16xi32>
      %add3A_119 = arith.addi %mul3A_112, %mul3A_118 : vector<16xi32>
      %add3A_120 = vector.broadcast %add3A_64 : i32 to vector<16xi32>
      %add3A_121 = arith.addi %add3A_119, %add3A_120 : vector<16xi32>
      tpu.vector_store_idx %arg7[%add3A_121], %gather3A_106 : memref<32768xf32, #tpu.memory_space<vmem>>[vector<16xi32>], vector<16xf32>,
      %add3A_122 = arith.constant 48 : i32
      %add3A_123 = vector.broadcast %add3A_122 : i32 to vector<16xi32>
      %add3A_124 = arith.addi %add3A_123, %iota3A : vector<16xi32>
      %gather3A_125 = tpu.vector_load_idx %arg6[%broadcast_in_dim3A_57, %add3A_124, %broadcast_in_dim3A_56] : memref<11x64x128xf32, #tpu.memory_space<vmem>>[vector<16xi32>, vector<16xi32>, vector<16xi32>], vector<16xf32>,
      %shift_right_arithmetic3A_126 = arith.constant 3 : i32
      %shift_right_arithmetic3A_127 = vector.broadcast %shift_right_arithmetic3A_126 : i32 to vector<16xi32>
      %shift_right_arithmetic3A_128 = arith.shrsi %add3A_124, %shift_right_arithmetic3A_127 : vector<16xi32>
      %mul3A_129 = arith.constant 4096 : i32
      %mul3A_130 = vector.broadcast %mul3A_129 : i32 to vector<16xi32>
      %mul3A_131 = arith.muli %shift_right_arithmetic3A_128, %mul3A_130 : vector<16xi32>
      %and3A_132 = arith.constant 7 : i32
      %and3A_133 = vector.broadcast %and3A_132 : i32 to vector<16xi32>
      %and3A_134 = arith.andi %add3A_124, %and3A_133 : vector<16xi32>
      %mul3A_135 = arith.constant 128 : i32
      %mul3A_136 = vector.broadcast %mul3A_135 : i32 to vector<16xi32>
      %mul3A_137 = arith.muli %and3A_134, %mul3A_136 : vector<16xi32>
      %add3A_138 = arith.addi %mul3A_131, %mul3A_137 : vector<16xi32>
      %add3A_139 = vector.broadcast %add3A_64 : i32 to vector<16xi32>
      %add3A_140 = arith.addi %add3A_138, %add3A_139 : vector<16xi32>
      tpu.vector_store_idx %arg7[%add3A_140], %gather3A_125 : memref<32768xf32, #tpu.memory_space<vmem>>[vector<16xi32>], vector<16xf32>,
      %add3A_141 = arith.constant 11 : i32
      %add3A_142 = arith.addi %scan3A_29, %add3A_141 : i32
      %broadcast_in_dim3A_143 = vector.broadcast %add3A_142 : i32 to vector<16xi32>
      %gather3A_144 = tpu.vector_load_idx %arg5[%broadcast_in_dim3A_143] : memref<512xi32, #tpu.memory_space<vmem>>[vector<16xi32>], vector<16xi32>,
      %reduce_max3A_145 = arith.constant true
      %reduce_max3A_146 = vector.broadcast %reduce_max3A_145 : i1 to vector<16xi1>
      %reduce_max3A_147 = arith.constant -2147483648 : i32
      %reduce_max3A_148 = vector.broadcast %reduce_max3A_147 : i32 to vector<16xi32>
      %reduce_max3A_149 = arith.xori %gather3A_144, %reduce_max3A_148 : vector<16xi32>
      %reduce_max3A_150 = tpu.scan <max>, %reduce_max3A_149 masked %reduce_max3A_146 : vector<16xi32>, vector<16xi1> -> vector<16xi32>
      %reduce_max3A_151 = arith.xori %reduce_max3A_150, %reduce_max3A_148 : vector<16xi32>
      %reduce_max3A_152 = vector.extract %reduce_max3A_151[15] : i32 from vector<16xi32>
      %shift_right_arithmetic3A_153 = arith.constant 7 : i32
      %shift_right_arithmetic3A_154 = arith.shrsi %reduce_max3A_152, %shift_right_arithmetic3A_153 : i32
      %mul3A_155 = arith.constant 128 : i32
      %mul3A_156 = arith.muli %shift_right_arithmetic3A_154, %mul3A_155 : i32
      %multiple_of3A_157 = tpu.assume_multiple %mul3A_156, 128 : i32
      %rem3A_158 = arith.constant 11 : i32
      %rem3A_159 = arith.remsi %add3A_142, %rem3A_158 : i32
      %dma_start3A = arith.constant 0 : i32
      %dma_start3A_160 = arith.constant 0 : i32
      %dma_start3A_161 = tpu.memref_slice %arg6[%rem3A_159, %dma_start3A, %dma_start3A_160] : memref<11x64x128xf32, #tpu.memory_space<vmem>> -> memref<1x64x128xf32, #tpu.memory_space<vmem>>
      %dma_start3A_162 = tpu.memref_squeeze %dma_start3A_161 : memref<1x64x128xf32, #tpu.memory_space<vmem>> -> memref<64x128xf32, #tpu.memory_space<vmem>>
      %dma_start3A_163 = arith.constant 0 : i32
      %dma_start3A_164 = tpu.memref_slice %arg2[%dma_start3A_163, %multiple_of3A_157] : memref<64x1000000xf32, #tpu.memory_space<hbm>> -> memref<64x128xf32, #tpu.memory_space<hbm>>
      %dma_start3A_165 = tpu.memref_slice %arg8[%rem3A_159] : memref<11x!tpu.dma_semaphore, #tpu.memory_space<semaphore_mem>> -> memref<1x!tpu.dma_semaphore, #tpu.memory_space<semaphore_mem>>
      %dma_start3A_166 = tpu.memref_squeeze %dma_start3A_165 : memref<1x!tpu.dma_semaphore, #tpu.memory_space<semaphore_mem>> -> memref<!tpu.dma_semaphore, #tpu.memory_space<semaphore_mem>>
      %dma_start3A_167 = arith.constant 0 : i32
      %dma_start3A_168 = arith.constant 0 : i32
      %dma_start3A_169 = tpu.memref_slice %arg6[%rem3A_159, %dma_start3A_167, %dma_start3A_168] : memref<11x64x128xf32, #tpu.memory_space<vmem>> -> memref<1x64x128xf32, #tpu.memory_space<vmem>>
      %dma_start3A_170 = tpu.memref_squeeze %dma_start3A_169 : memref<1x64x128xf32, #tpu.memory_space<vmem>> -> memref<64x128xf32, #tpu.memory_space<vmem>>
      %dma_start3A_171 = arith.constant 0 : i32
      %dma_start3A_172 = tpu.memref_slice %arg2[%dma_start3A_171, %multiple_of3A_157] : memref<64x1000000xf32, #tpu.memory_space<hbm>> -> memref<64x128xf32, #tpu.memory_space<hbm>>
      tpu.enqueue_dma source(%dma_start3A_172 : memref<64x128xf32, #tpu.memory_space<hbm>>) target(%dma_start3A_170 : memref<64x128xf32, #tpu.memory_space<vmem>>) target_semaphore(%dma_start3A_166 : memref<!tpu.dma_semaphore, #tpu.memory_space<semaphore_mem>>)
    }
    %scan3A_13 = arith.constant 501 : i32
    %scan3A_14 = arith.constant 0 : i32
    %scan3A_15 = arith.constant 501 : i32
    %scan3A_16 = arith.constant 11 : i32
    %scan3A_17 = arith.addi %scan3A_15, %scan3A_16 : i32
    %scan3A_18 = arith.constant 1 : i32
    scf.for %scan3A_29 = %scan3A_15 to %scan3A_17 step %scan3A_18  : i32 {
      %broadcast_in_dim3A = vector.broadcast %scan3A_29 : i32 to vector<16xi32>
      %gather3A = tpu.vector_load_idx %arg5[%broadcast_in_dim3A] : memref<512xi32, #tpu.memory_space<vmem>>[vector<16xi32>], vector<16xi32>,
      %reduce_max3A = arith.constant true
      %reduce_max3A_30 = vector.broadcast %reduce_max3A : i1 to vector<16xi1>
      %reduce_max3A_31 = arith.constant -2147483648 : i32
      %reduce_max3A_32 = vector.broadcast %reduce_max3A_31 : i32 to vector<16xi32>
      %reduce_max3A_33 = arith.xori %gather3A, %reduce_max3A_32 : vector<16xi32>
      %reduce_max3A_34 = tpu.scan <max>, %reduce_max3A_33 masked %reduce_max3A_30 : vector<16xi32>, vector<16xi1> -> vector<16xi32>
      %reduce_max3A_35 = arith.xori %reduce_max3A_34, %reduce_max3A_32 : vector<16xi32>
      %reduce_max3A_36 = vector.extract %reduce_max3A_35[15] : i32 from vector<16xi32>
      %shift_right_arithmetic3A = arith.constant 7 : i32
      %shift_right_arithmetic3A_37 = arith.shrsi %reduce_max3A_36, %shift_right_arithmetic3A : i32
      %mul3A_38 = arith.constant 128 : i32
      %mul3A_39 = arith.muli %shift_right_arithmetic3A_37, %mul3A_38 : i32
      %multiple_of3A = tpu.assume_multiple %mul3A_39, 128 : i32
      %rem3A = arith.constant 11 : i32
      %rem3A_40 = arith.remsi %scan3A_29, %rem3A : i32
      %dma_wait3A_41 = arith.constant 0 : i32
      %dma_wait3A_42 = arith.constant 0 : i32
      %dma_wait3A_43 = tpu.memref_slice %arg6[%rem3A_40, %dma_wait3A_41, %dma_wait3A_42] : memref<11x64x128xf32, #tpu.memory_space<vmem>> -> memref<1x64x128xf32, #tpu.memory_space<vmem>>
      %dma_wait3A_44 = tpu.memref_squeeze %dma_wait3A_43 : memref<1x64x128xf32, #tpu.memory_space<vmem>> -> memref<64x128xf32, #tpu.memory_space<vmem>>
      %dma_wait3A_45 = arith.constant 0 : i32
      %dma_wait3A_46 = tpu.memref_slice %arg2[%dma_wait3A_45, %multiple_of3A] : memref<64x1000000xf32, #tpu.memory_space<hbm>> -> memref<64x128xf32, #tpu.memory_space<hbm>>
      %dma_wait3A_47 = tpu.memref_slice %arg8[%rem3A_40] : memref<11x!tpu.dma_semaphore, #tpu.memory_space<semaphore_mem>> -> memref<1x!tpu.dma_semaphore, #tpu.memory_space<semaphore_mem>>
      %dma_wait3A_48 = tpu.memref_squeeze %dma_wait3A_47 : memref<1x!tpu.dma_semaphore, #tpu.memory_space<semaphore_mem>> -> memref<!tpu.dma_semaphore, #tpu.memory_space<semaphore_mem>>
      %dma_wait3A_49 = arith.constant 0 : i32
      %dma_wait3A_50 = arith.constant 0 : i32
      %dma_wait3A_51 = tpu.memref_slice %arg6[%rem3A_40, %dma_wait3A_49, %dma_wait3A_50] : memref<11x64x128xf32, #tpu.memory_space<vmem>> -> memref<1x64x128xf32, #tpu.memory_space<vmem>>
      %dma_wait3A_52 = tpu.memref_squeeze %dma_wait3A_51 : memref<1x64x128xf32, #tpu.memory_space<vmem>> -> memref<64x128xf32, #tpu.memory_space<vmem>>
      %dma_wait3A_53 = arith.constant 0 : i32
      %dma_wait3A_54 = tpu.memref_slice %arg2[%dma_wait3A_53, %multiple_of3A] : memref<64x1000000xf32, #tpu.memory_space<hbm>> -> memref<64x128xf32, #tpu.memory_space<hbm>>
      tpu.wait_dma2 semaphore(%dma_wait3A_48 : memref<!tpu.dma_semaphore, #tpu.memory_space<semaphore_mem>>) src(%dma_wait3A_54 : memref<64x128xf32, #tpu.memory_space<hbm>>) dst(%dma_wait3A_52 : memref<64x128xf32, #tpu.memory_space<vmem>>)
      %and3A = arith.constant 127 : i32
      %and3A_55 = arith.andi %reduce_max3A_36, %and3A : i32
      %broadcast_in_dim3A_56 = vector.broadcast %and3A_55 : i32 to vector<16xi32>
      %broadcast_in_dim3A_57 = vector.broadcast %rem3A_40 : i32 to vector<16xi32>
      %shift_right_arithmetic3A_58 = arith.constant 7 : i32
      %shift_right_arithmetic3A_59 = arith.shrsi %scan3A_29, %shift_right_arithmetic3A_58 : i32
      %and3A_60 = arith.constant 127 : i32
      %and3A_61 = arith.andi %scan3A_29, %and3A_60 : i32
      %mul3A_62 = arith.constant 1024 : i32
      %mul3A_63 = arith.muli %shift_right_arithmetic3A_59, %mul3A_62 : i32
      %add3A_64 = arith.addi %mul3A_63, %and3A_61 : i32
      %add3A_65 = arith.constant 0 : i32
      %add3A_66 = vector.broadcast %add3A_65 : i32 to vector<16xi32>
      %add3A_67 = arith.addi %add3A_66, %iota3A : vector<16xi32>
      %gather3A_68 = tpu.vector_load_idx %arg6[%broadcast_in_dim3A_57, %add3A_67, %broadcast_in_dim3A_56] : memref<11x64x128xf32, #tpu.memory_space<vmem>>[vector<16xi32>, vector<16xi32>, vector<16xi32>], vector<16xf32>,
      %shift_right_arithmetic3A_69 = arith.constant 3 : i32
      %shift_right_arithmetic3A_70 = vector.broadcast %shift_right_arithmetic3A_69 : i32 to vector<16xi32>
      %shift_right_arithmetic3A_71 = arith.shrsi %add3A_67, %shift_right_arithmetic3A_70 : vector<16xi32>
      %mul3A_72 = arith.constant 4096 : i32
      %mul3A_73 = vector.broadcast %mul3A_72 : i32 to vector<16xi32>
      %mul3A_74 = arith.muli %shift_right_arithmetic3A_71, %mul3A_73 : vector<16xi32>
      %and3A_75 = arith.constant 7 : i32
      %and3A_76 = vector.broadcast %and3A_75 : i32 to vector<16xi32>
      %and3A_77 = arith.andi %add3A_67, %and3A_76 : vector<16xi32>
      %mul3A_78 = arith.constant 128 : i32
      %mul3A_79 = vector.broadcast %mul3A_78 : i32 to vector<16xi32>
      %mul3A_80 = arith.muli %and3A_77, %mul3A_79 : vector<16xi32>
      %add3A_81 = arith.addi %mul3A_74, %mul3A_80 : vector<16xi32>
      %add3A_82 = vector.broadcast %add3A_64 : i32 to vector<16xi32>
      %add3A_83 = arith.addi %add3A_81, %add3A_82 : vector<16xi32>
      tpu.vector_store_idx %arg7[%add3A_83], %gather3A_68 : memref<32768xf32, #tpu.memory_space<vmem>>[vector<16xi32>], vector<16xf32>,
      %add3A_84 = arith.constant 16 : i32
      %add3A_85 = vector.broadcast %add3A_84 : i32 to vector<16xi32>
      %add3A_86 = arith.addi %add3A_85, %iota3A : vector<16xi32>
      %gather3A_87 = tpu.vector_load_idx %arg6[%broadcast_in_dim3A_57, %add3A_86, %broadcast_in_dim3A_56] : memref<11x64x128xf32, #tpu.memory_space<vmem>>[vector<16xi32>, vector<16xi32>, vector<16xi32>], vector<16xf32>,
      %shift_right_arithmetic3A_88 = arith.constant 3 : i32
      %shift_right_arithmetic3A_89 = vector.broadcast %shift_right_arithmetic3A_88 : i32 to vector<16xi32>
      %shift_right_arithmetic3A_90 = arith.shrsi %add3A_86, %shift_right_arithmetic3A_89 : vector<16xi32>
      %mul3A_91 = arith.constant 4096 : i32
      %mul3A_92 = vector.broadcast %mul3A_91 : i32 to vector<16xi32>
      %mul3A_93 = arith.muli %shift_right_arithmetic3A_90, %mul3A_92 : vector<16xi32>
      %and3A_94 = arith.constant 7 : i32
      %and3A_95 = vector.broadcast %and3A_94 : i32 to vector<16xi32>
      %and3A_96 = arith.andi %add3A_86, %and3A_95 : vector<16xi32>
      %mul3A_97 = arith.constant 128 : i32
      %mul3A_98 = vector.broadcast %mul3A_97 : i32 to vector<16xi32>
      %mul3A_99 = arith.muli %and3A_96, %mul3A_98 : vector<16xi32>
      %add3A_100 = arith.addi %mul3A_93, %mul3A_99 : vector<16xi32>
      %add3A_101 = vector.broadcast %add3A_64 : i32 to vector<16xi32>
      %add3A_102 = arith.addi %add3A_100, %add3A_101 : vector<16xi32>
      tpu.vector_store_idx %arg7[%add3A_102], %gather3A_87 : memref<32768xf32, #tpu.memory_space<vmem>>[vector<16xi32>], vector<16xf32>,
      %add3A_103 = arith.constant 32 : i32
      %add3A_104 = vector.broadcast %add3A_103 : i32 to vector<16xi32>
      %add3A_105 = arith.addi %add3A_104, %iota3A : vector<16xi32>
      %gather3A_106 = tpu.vector_load_idx %arg6[%broadcast_in_dim3A_57, %add3A_105, %broadcast_in_dim3A_56] : memref<11x64x128xf32, #tpu.memory_space<vmem>>[vector<16xi32>, vector<16xi32>, vector<16xi32>], vector<16xf32>,
      %shift_right_arithmetic3A_107 = arith.constant 3 : i32
      %shift_right_arithmetic3A_108 = vector.broadcast %shift_right_arithmetic3A_107 : i32 to vector<16xi32>
      %shift_right_arithmetic3A_109 = arith.shrsi %add3A_105, %shift_right_arithmetic3A_108 : vector<16xi32>
      %mul3A_110 = arith.constant 4096 : i32
      %mul3A_111 = vector.broadcast %mul3A_110 : i32 to vector<16xi32>
      %mul3A_112 = arith.muli %shift_right_arithmetic3A_109, %mul3A_111 : vector<16xi32>
      %and3A_113 = arith.constant 7 : i32
      %and3A_114 = vector.broadcast %and3A_113 : i32 to vector<16xi32>
      %and3A_115 = arith.andi %add3A_105, %and3A_114 : vector<16xi32>
      %mul3A_116 = arith.constant 128 : i32
      %mul3A_117 = vector.broadcast %mul3A_116 : i32 to vector<16xi32>
      %mul3A_118 = arith.muli %and3A_115, %mul3A_117 : vector<16xi32>
      %add3A_119 = arith.addi %mul3A_112, %mul3A_118 : vector<16xi32>
      %add3A_120 = vector.broadcast %add3A_64 : i32 to vector<16xi32>
      %add3A_121 = arith.addi %add3A_119, %add3A_120 : vector<16xi32>
      tpu.vector_store_idx %arg7[%add3A_121], %gather3A_106 : memref<32768xf32, #tpu.memory_space<vmem>>[vector<16xi32>], vector<16xf32>,
      %add3A_122 = arith.constant 48 : i32
      %add3A_123 = vector.broadcast %add3A_122 : i32 to vector<16xi32>
      %add3A_124 = arith.addi %add3A_123, %iota3A : vector<16xi32>
      %gather3A_125 = tpu.vector_load_idx %arg6[%broadcast_in_dim3A_57, %add3A_124, %broadcast_in_dim3A_56] : memref<11x64x128xf32, #tpu.memory_space<vmem>>[vector<16xi32>, vector<16xi32>, vector<16xi32>], vector<16xf32>,
      %shift_right_arithmetic3A_126 = arith.constant 3 : i32
      %shift_right_arithmetic3A_127 = vector.broadcast %shift_right_arithmetic3A_126 : i32 to vector<16xi32>
      %shift_right_arithmetic3A_128 = arith.shrsi %add3A_124, %shift_right_arithmetic3A_127 : vector<16xi32>
      %mul3A_129 = arith.constant 4096 : i32
      %mul3A_130 = vector.broadcast %mul3A_129 : i32 to vector<16xi32>
      %mul3A_131 = arith.muli %shift_right_arithmetic3A_128, %mul3A_130 : vector<16xi32>
      %and3A_132 = arith.constant 7 : i32
      %and3A_133 = vector.broadcast %and3A_132 : i32 to vector<16xi32>
      %and3A_134 = arith.andi %add3A_124, %and3A_133 : vector<16xi32>
      %mul3A_135 = arith.constant 128 : i32
      %mul3A_136 = vector.broadcast %mul3A_135 : i32 to vector<16xi32>
      %mul3A_137 = arith.muli %and3A_134, %mul3A_136 : vector<16xi32>
      %add3A_138 = arith.addi %mul3A_131, %mul3A_137 : vector<16xi32>
      %add3A_139 = vector.broadcast %add3A_64 : i32 to vector<16xi32>
      %add3A_140 = arith.addi %add3A_138, %add3A_139 : vector<16xi32>
      tpu.vector_store_idx %arg7[%add3A_140], %gather3A_125 : memref<32768xf32, #tpu.memory_space<vmem>>[vector<16xi32>], vector<16xf32>,
    }
    %scan3A_19 = arith.constant 11 : i32
    %scan3A_20 = arith.constant 0 : i32
    %scan3A_21 = arith.constant 0 : i32
    %scan3A_22 = arith.constant 32 : i32
    %scan3A_23 = arith.addi %scan3A_21, %scan3A_22 : i32
    %scan3A_24 = arith.constant 1 : i32
    scf.for %scan3A_29 = %scan3A_21 to %scan3A_23 step %scan3A_24  : i32 {
      %shift_right_arithmetic3A = arith.constant 2 : i32
      %shift_right_arithmetic3A_30 = arith.shrsi %scan3A_29, %shift_right_arithmetic3A : i32
      %and3A = arith.constant 3 : i32
      %and3A_31 = arith.andi %scan3A_29, %and3A : i32
      %mul3A_32 = arith.constant 131072 : i32
      %mul3A_33 = arith.muli %shift_right_arithmetic3A_30, %mul3A_32 : i32
      %mul3A_34 = arith.constant 4 : i32
      %mul3A_35 = arith.muli %add3A, %mul3A_34 : i32
      %add3A_36 = arith.addi %mul3A_35, %and3A_31 : i32
      %mul3A_37 = arith.constant 1024 : i32
      %mul3A_38 = arith.muli %add3A_36, %mul3A_37 : i32
      %add3A_39 = arith.addi %mul3A_33, %mul3A_38 : i32
      %mul3A_40 = arith.constant 1024 : i32
      %mul3A_41 = arith.muli %scan3A_29, %mul3A_40 : i32
      %dma_start3A = tpu.memref_slice %arg7[%mul3A_41] : memref<32768xf32, #tpu.memory_space<vmem>> -> memref<1024xf32, #tpu.memory_space<vmem>>
      %dma_start3A_42 = tpu.memref_slice %arg4[%add3A_39] : memref<1048576xf32, #tpu.memory_space<hbm>> -> memref<1024xf32, #tpu.memory_space<hbm>>
      %dma_start3A_43 = tpu.memref_slice %arg4[%add3A_39] : memref<1048576xf32, #tpu.memory_space<hbm>> -> memref<1024xf32, #tpu.memory_space<hbm>>
      %dma_start3A_44 = tpu.memref_slice %arg7[%mul3A_41] : memref<32768xf32, #tpu.memory_space<vmem>> -> memref<1024xf32, #tpu.memory_space<vmem>>
      tpu.enqueue_dma source(%dma_start3A_44 : memref<1024xf32, #tpu.memory_space<vmem>>) target(%dma_start3A_43 : memref<1024xf32, #tpu.memory_space<hbm>>) target_semaphore(%arg9 : memref<!tpu.dma_semaphore, #tpu.memory_space<semaphore_mem>>)
    }
    %scan3A_25 = arith.constant 32 : i32
    %dma_wait3A = arith.constant 0 : i32
    %dma_wait3A_26 = tpu.memref_slice %arg4[%dma_wait3A] : memref<1048576xf32, #tpu.memory_space<hbm>> -> memref<32768xf32, #tpu.memory_space<hbm>>
    %dma_wait3A_27 = arith.constant 0 : i32
    %dma_wait3A_28 = tpu.memref_slice %arg4[%dma_wait3A_27] : memref<1048576xf32, #tpu.memory_space<hbm>> -> memref<32768xf32, #tpu.memory_space<hbm>>
    tpu.wait_dma2 semaphore(%arg9 : memref<!tpu.dma_semaphore, #tpu.memory_space<semaphore_mem>>) src(%dma_wait3A_28 : memref<32768xf32, #tpu.memory_space<hbm>>) dst(%dma_wait3A_26 : memref<32768xf32, #tpu.memory_space<hbm>>)
    return
  }
}

</mosaic_0001>

<sc_bundles>
// kernel: kernel.3.cloned.1.call-start
scs
__scs_entry_jumppad:
0x0: {  	(pc) =	sbr.rel $0x88, $3  }
0x1: {  	(tag) =	ssettag $0x0;
	lr =	simm.s32 $0x1  }
0x2: {  	[smem:$0x3F9F] =	sst lr;
	_ =	strace $0xD0000000  }
0x3: {  	_ = 	snop  }
0x4: {  	_ = 	snop  }
0x5: {  	_ = 	snop  }
0x6: {  	_ = 	snop  }
0x7: {  	_ = 	snop  }
__scs_overlays_trampoline_lowered:
0x8: {  	[smem:$0x3FAE] =	sst s0  }
0x9: {  	[smem:$0x3FAF] =	sst s1  }
0xa: {  	[smem:$0x3FB0] =	sst s2  }
0xb: {  	[smem:$0x3FB1] =	sst s3  }
0xc: {  	[smem:$0x3FB2] =	sst s4  }
0xd: {  	[smem:$0x3FB3] =	sst s5  }
0xe: {  	[smem:$0x3FB4] =	sst s6  }
0xf: {  	[smem:$0x3FB5] =	sst s7  }
0x10: {  	[smem:$0x3FB6] =	sst s8  }
0x11: {  	[smem:$0x3FB7] =	sst s9;
	s0 =	simm.s32 @!p0 $0x0  }
0x12: {  	s1 =	sld [smem:$0x3F9D];
	s0 =	simm.s32 @p0 $0x1  }
0x13: {  	[smem:$0x3FB8] =	sst s0;
	s0 =	simm.s32 @!p1 $0x0  }
0x14: {  	s2 =	sld [smem:$0x3F9C];
	s0 =	simm.s32 @p1 $0x1  }
0x15: {  	[smem:$0x3FB9] =	sst s0;
	s0 =	simm.s32 @!p2 $0x0  }
0x16: {  	s3 =	sld [smem:$0x3FDB];
	s0 =	simm.s32 @p2 $0x1  }
0x17: {  	s4 =	simm.s32 $0x1BF5;
	[smem:$0x3FBB] =	sst s0  }
0x18: {  	s0 =	sld [smem:$0x3F9E];
	_ =	swait.ge [sflag:s4], $0x0  }
0x19: {  	s7 =	sld [smem:$0x3F9F]  }
0x1a: {  	s8 =	sadd.s32 $0xFFFFE003, lr  }
0x1b: {  	s9 =	sadd.s32 $0xFFFFFEF7, lr;
	s5 =	simm.s32 $0xFFFFFFFF;
	p2 =	slt.u32 s8, $0xFFFFF086  }
0x1c: {  	p1 =	slt.u32 s9, $0xF7A;
	s5 =	simm.s32 @!p2 $0x0  }
0x1d: {  	s5 =	simm.s32 @p1 $0x1;
	p0 =	seq.s32 s7, s2  }
0x1e: {  	s7 =	smul.u32 @!p0 $0xF7A, s2;
	p2 =	seq.s32 @!p0 s5, $0x0  }
0x1f: {  	s9 =	smul.u32 $0xF7A, s1;
	s8 =	simm.s32 @!p0 $0x1BF5;
	p2 =	por !p2, p0  }
0x20: {  	[sflag:s8] =	ssyncset.s32 @!p0 $0xFFFFF086;
	s6 =	sadd.s32 @!p0 s3, s7;
	s7 =	simm.s32 @!p0 $0x108  }
0x21: {  	s3 =	sadd.s32 s3, s9;
	s6 =	sadd.s32 @!p0 $0x88, s6;
	s7 =	simm.s32 @p2 $0x1082  }
0x22: {  	[simem:s7], [sflag:s8] =	dma.local @!p0 [hbm:s6], $0xF7A  }
0x23: {  	s9 =	sor.u32 $0xD0000000, s2;
	s6 =	simm.s32 $0x108;
	_ =	swait.ge @!p0 [sflag:s8], $0x0  }
0x24: {  	s3 =	sadd.s32 $0x88, s3;
	s6 =	simm.s32 @!p1 $0x1082;
	[sflag:s4] =	ssyncset.s32 $0xFFFFF086  }
0x25: {  	[simem:s6], [sflag:s4] =	dma.local [hbm:s3], $0xF7A  }
0x26: {  	[smem:$0x3F9F] =	sst s1;
	(tag) =	ssettag s2;
	_ =	strace s9  }
0x27: {  	s1 =	sld [smem:$0x3FAF]  }
0x28: {  	s2 =	sld [smem:$0x3FB0]  }
0x29: {  	s4 =	sld [smem:$0x3FB2]  }
0x2a: {  	p0 =	seq.s32 s5, $0x0;
	s5 =	sld [smem:$0x3FB3]  }
0x2b: {  	s6 =	sld [smem:$0x3FB4]  }
0x2c: {  	s7 =	sld [smem:$0x3FB5]  }
0x2d: {  	s3 =	simm.s32 $0x108;
	s8 =	sld [smem:$0x3FB6]  }
0x2e: {  	s3 =	simm.s32 @!p0 $0x1082;
	s9 =	sld [smem:$0x3FB7]  }
0x2f: {  	lr =	sadd.s32 s0, s3;
	s0 =	sld [smem:$0x3FAE]  }
0x30: {  	s3 =	sld [smem:$0x3FB1]  }
0x31: {  	[smem:$0x3FBA] =	sst s10  }
0x32: {  	s10 =	sld [smem:$0x3FB8];
	_ =	sdelay $0x3  }
0x33: {  	p0 =	seq.s32 s10, $0x1;
	s10 =	sld [smem:$0x3FBA];
	_ =	sdelay $0x3  }
0x34: {  	[smem:$0x3FBA] =	sst s10  }
0x35: {  	s10 =	sld [smem:$0x3FB9];
	_ =	sdelay $0x3  }
0x36: {  	p1 =	seq.s32 s10, $0x1;
	s10 =	sld [smem:$0x3FBA];
	_ =	sdelay $0x3  }
0x37: {  	[smem:$0x3FBA] =	sst s10  }
0x38: {  	s10 =	sld [smem:$0x3FBB]  }
0x39: {  	_ = 	snop;
	(pc) =	sbr.ind lr, $3  }
0x3a: {  	_ = 	snop  }
0x3b: {  	_ = 	snop  }
0x3c: {  	p2 =	seq.s32 s10, $0x1;
	s10 =	sld [smem:$0x3FBA]  }
0x3d: {  	_ =	shalt  }
0x3e: {  	_ =	shalt  }
0x3f: {  	_ =	shalt  }
0x40: {  	_ =	shalt  }
0x41: {  	_ =	shalt  }
0x42: {  	_ =	shalt  }
0x43: {  	_ =	shalt  }
0x44: {  	_ =	shalt  }
0x45: {  	_ =	shalt  }
0x46: {  	_ =	shalt  }
0x47: {  	_ =	shalt  }
0x48: {  	_ =	shalt  }
0x49: {  	_ =	shalt  }
0x4a: {  	_ =	shalt  }
0x4b: {  	_ =	shalt  }
0x4c: {  	_ =	shalt  }
0x4d: {  	_ =	shalt  }
0x4e: {  	_ =	shalt  }
0x4f: {  	_ =	shalt  }
0x50: {  	_ =	shalt  }
0x51: {  	_ =	shalt  }
0x52: {  	_ =	shalt  }
0x53: {  	_ =	shalt  }
0x54: {  	_ =	shalt  }
0x55: {  	_ =	shalt  }
0x56: {  	_ =	shalt  }
0x57: {  	_ =	shalt  }
0x58: {  	_ =	shalt  }
0x59: {  	_ =	shalt  }
0x5a: {  	_ =	shalt  }
0x5b: {  	_ =	shalt  }
0x5c: {  	_ =	shalt  }
0x5d: {  	_ =	shalt  }
0x5e: {  	_ =	shalt  }
0x5f: {  	_ =	shalt  }
0x60: {  	_ =	shalt  }
0x61: {  	_ =	shalt  }
0x62: {  	_ =	shalt  }
0x63: {  	_ =	shalt  }
0x64: {  	_ =	shalt  }
0x65: {  	_ =	shalt  }
0x66: {  	_ =	shalt  }
0x67: {  	_ =	shalt  }
0x68: {  	_ =	shalt  }
0x69: {  	_ =	shalt  }
0x6a: {  	_ =	shalt  }
0x6b: {  	_ =	shalt  }
0x6c: {  	_ =	shalt  }
0x6d: {  	_ =	shalt  }
0x6e: {  	_ =	shalt  }
0x6f: {  	_ =	shalt  }
0x70: {  	_ =	shalt  }
0x71: {  	_ =	shalt  }
0x72: {  	_ =	shalt  }
0x73: {  	_ =	shalt  }
0x74: {  	_ =	shalt  }
0x75: {  	_ =	shalt  }
0x76: {  	_ =	shalt  }
0x77: {  	_ =	shalt  }
0x78: {  	_ =	shalt  }
0x79: {  	_ =	shalt  }
0x7a: {  	_ =	shalt  }
0x7b: {  	_ =	shalt  }
0x7c: {  	_ =	shalt  }
0x7d: {  	_ =	shalt  }
0x7e: {  	_ =	shalt  }
0x7f: {  	_ =	shalt  }
0x80: {  	_ =	shalt  }
0x81: {  	_ =	shalt  }
0x82: {  	_ =	shalt  }
0x83: {  	_ =	shalt  }
0x84: {  	_ =	shalt  }
0x85: {  	_ =	shalt  }
0x86: {  	_ =	shalt  }
0x87: {  	_ =	shalt  }
.Lfunc_end0:
.L_simem_size_0:
called_computation_lowered:
.L_overlay_start_0:
0x88: {  	s2 =	sld [smem:$0x3FD9]  }
0x89: {  	s3 =	sld [smem:$0x3FFE];
	_ =	sdelay $0x1  }
0x8a: {  	s1 =	srdreg.scid  }
0x8b: {  	s0 =	sand.u32 $0x1, s1  }
0x8c: {  	s18 =	sshll.u32 s0, $0xA;
	s2 =	sadd.s32 s3, s2  }
0x8d: {  	s2 =	sadd.s32 s2, s18  }
0x8e: {  	[smem:$0x3FC6] =	sst s2  }
0x8f: {  	_ = 	snop  }
0x90: {  	s2 =	sld [smem:$0x3FC9]  }
0x91: {  	s19 =	sld [smem:$0x3FC8]  }
0x92: {  	s4 =	sld [smem:$0x3FD0];
	(tm) =	ssettm $0x1  }
0x93: {  	s5 =	sld [smem:$0x3FFB];
	_ =	sdelay $0x3  }
0x94: {  	_ =	strace s5  }
0x95: {  	s5 =	sld [smem:$0x3FFC];
	_ =	sdelay $0x3  }
0x96: {  	_ =	strace s5  }
0x97: {  	s5 =	sld [smem:$0x3FFD];
	_ =	sdelay $0x3  }
0x98: {  	_ =	strace s5  }
0x99: {  	_ =	strace $0x8FFFFFFF  }
0x9a: {  	s20 =	sld [smem:$0x3FDB];
	_ =	sdelay $0x1  }
0x9b: {  	s6 =	simm.s32 $_scs_section_size  }
0x9c: {  	s7 =	simm.s32 $_size__tile_overlayer_lowered;
	s8 =	simm.s32 $_tile_overlayer_lowered  }
0x9d: {  	s23 =	simm.s32 $0x1BFF;
	s22 =	sshll.u32 s8, $0x1;
	s5 =	sadd.s32 s6, s20  }
0x9e: {  	s9 =	simm.s32 $0x0;
	s21 =	sshll.u32 s7, $0x1;
	s7 =	sadd.s32 s22, s5  }
0x9f: {  	[timem:s9], [sflag:s23] =	dma.local [hbm:s7], s21  }
0xa0: {  	_ =	swait.ge [sflag:s23], s21  }
0xa1: {  	s6 =	ssub.s32 $0x0, s21;
	[sflag:s23] =	ssyncset.done $0x0  }
0xa2: {  	[sflag:s23] =	ssyncadd.s32 s6;
	_ =	sdelay $0x1  }
0xa3: {  	s24 =	simm.s32 $0x1B8B  }
0xa4: {  	_ =	swait.ge [sflag:s24], $0x1  }
0xa5: {  	[sflag:s24] =	ssyncset.done $0x0  }
0xa6: {  	s25 =	simm.s32 $0x1B8E;
	[sflag:s24] =	ssyncadd.s32 $0xFFFFFFFF  }
0xa7: {  	s26 =	simm.s32 $execute0_lowered;
	[smem:$0x3FD2] =	sst s25  }
0xa8: {  	s6 =	sshll.u32 s26, $0x1;
	_ =	strace $0x80000046;
	[dreg:$0x1] =	wrdreg $0xFFFFFFFF  }
0xa9: {  	s28 =	simm.s32 $_size_execute0_lowered;
	s5 =	sadd.s32 s5, s6;
	[dreg:$0x0] =	wrdreg $0x0  }
0xaa: {  	s6 =	sshll.u32 s28, $0x1;
	[dreg:$0x2] =	wrdreg s5  }
0xab: {  	[dreg:$0x3] =	wrdreg s6  }
0xac: {  	[dreg:$0x4] =	wrdreg $0xC0  }
0xad: {  	_ =	task [dreg:s9], $0x5FFFF  }
0xae: {  	[dreg:$0x1] =	wrdreg $0xFFFFFFFF  }
0xaf: {  	[dreg:$0x0] =	wrdreg $0x60  }
0xb0: {  	[dreg:$0x2] =	wrdreg s19  }
0xb1: {  	[dreg:$0x3] =	wrdreg s2  }
0xb2: {  	[dreg:$0x4] =	wrdreg s4  }
0xb3: {  	[dreg:$0x5] =	wrdreg $0x9  }
0xb4: {  	_ =	task.clear_ibuf [dreg:s9], $0x6FFFF;
	_ =	strace $0x90000046  }
0xb5: {  	s29 =	simm.s32 $0x9;
	_ =	strace $0x80000048  }
0xb6: {  	_ =	swait.ge [sflag:s29], $0x1  }
0xb7: {  	[sflag:s29] =	ssyncadd.s32 $0xFFFFFFFF  }
0xb8: {  	_ =	strace $0x90000048  }
0xb9: {  	_ =	sfence  }
0xba: {  	s30 =	sld [smem:$0x0];
	_ =	sdelay $0x2  }
0xbb: {  	s31 =	sshll.u32 s1, $0xD;
	s1 =	sshrl.u32 s1, $0x2  }
0xbc: {  	s3 =	sand.u32 $0x4000, s31;
	s1 =	sadd.s32 s1, s30  }
0xbd: {  	s0 =	sor.u32 s3, s0;
	s1 =	sshll.u32 s1, $0x11  }
0xbe: {  	s0 =	sor.u32 s1, s0  }
0xbf: {  	s0 =	sadd.s32 $0x8F2B, s0  }
0xc0: {  	[sflag:s0] =	ssyncadd.remote.s32 $0x1  }
0xc1: {  	_ =	sfence.sel $0xFFFF  }
0xc2: {  	[dreg:$0x0] =	wrdreg $0xFFFFFFFF;
	(pc) =	sbr.abs _section_cstart, $3  }
0xc3: {  	[dreg:$0x1] =	wrdreg $0xFFFFFFFF  }
0xc4: {  	_ =	task.clear_ibuf [dreg:s9], $0x2FFFF;
	_ =	strace $0x9FFFFFFF  }
0xc5: {  	(tm) =	ssettm $0x7FFFFFFF  }
tec
execute0_lowered:
.L_overlay_start_1:
0x0: {  	(tag) =	ssettag $0x1  }
0x1: {  	v0 =	vimm.s32 $0x1380;
	vm14 =	vcmask $0x300;
	vm13 =	vcmask $0x704  }
0x2: {  	vm12 =	vcmask $0xB08;
	vm11 =	vcmask $0xF0C;
	vm10 =	vcmask $0x1310  }
0x3: {  	vm9 =	vcmask $0x1714;
	vm8 =	vcmask $0x1B18;
	vm7 =	vcmask $0x1F1C  }
0x4: {  	vm6 =	vcmask $0x2320;
	vm5 =	vcmask $0x2724;
	vm4 =	vcmask $0x2B28  }
0x5: {  	vm3 =	vcmask $0x2F2C;
	v1 =	vlaneseq.u32;
	vm2 =	vcmask $0x3330  }
0x6: {  	vm1 =	vcmask $0x3734;
	vm0 =	vcmask $0x3B38;
	v3 =	vimm.s32 $0x3380  }
0x7: {  	v4 =	vimm.s32 $0x5380;
	v5 =	vimm.s32 $0x7380;
	v0 =	vsel vm14, $0x0, v0  }
0x8: {  	v3 =	vsel vm14, $0x2000, v3;
	v4 =	vsel vm14, $0x4000, v4;
	v5 =	vsel vm14, $0x6000, v5  }
0x9: {  	v0 =	vsel vm13, $0x80, v0;
	v3 =	vsel vm13, $0x2080, v3;
	v4 =	vsel vm13, $0x4080, v4  }
0xa: {  	v5 =	vsel vm13, $0x6080, v5;
	v0 =	vsel vm12, $0x100, v0;
	v3 =	vsel vm12, $0x2100, v3  }
0xb: {  	v4 =	vsel vm12, $0x4100, v4;
	v5 =	vsel vm12, $0x6100, v5;
	v0 =	vsel vm11, $0x180, v0  }
0xc: {  	v3 =	vsel vm11, $0x2180, v3;
	v4 =	vsel vm11, $0x4180, v4;
	v5 =	vsel vm11, $0x6180, v5  }
0xd: {  	v0 =	vsel vm10, $0x200, v0;
	v3 =	vsel vm10, $0x2200, v3;
	v4 =	vsel vm10, $0x4200, v4  }
0xe: {  	v5 =	vsel vm10, $0x6200, v5;
	v0 =	vsel vm9, $0x280, v0;
	v3 =	vsel vm9, $0x2280, v3  }
0xf: {  	v4 =	vsel vm9, $0x4280, v4;
	v5 =	vsel vm9, $0x6280, v5;
	v0 =	vsel vm8, $0x300, v0  }
0x10: {  	v3 =	vsel vm8, $0x2300, v3;
	v4 =	vsel vm8, $0x4300, v4;
	v5 =	vsel vm8, $0x6300, v5  }
0x11: {  	s0 =	rddreg [dreg:$0x0];
	v0 =	vsel vm7, $0x380, v0;
	v3 =	vsel vm7, $0x2380, v3;
	v4 =	vsel vm7, $0x4380, v4  }
0x12: {  	s4 =	rddreg [dreg:$0x1];
	v5 =	vsel vm7, $0x6380, v5;
	v0 =	vsel vm6, $0x1000, v0;
	v3 =	vsel vm6, $0x3000, v3  }
0x13: {  	s5 =	rddreg [dreg:$0x2];
	v4 =	vsel vm6, $0x5000, v4;
	v5 =	vsel vm6, $0x7000, v5;
	v0 =	vsel vm5, $0x1080, v0  }
0x14: {  	s1 =	rddreg [dreg:$0x3];
	v3 =	vsel vm5, $0x3080, v3;
	v4 =	vsel vm5, $0x5080, v4;
	v5 =	vsel vm5, $0x7080, v5  }
0x15: {  	s6 =	srdreg.scid;
	s2 =	stileid.u32;
	v0 =	vsel vm4, $0x1100, v0;
	v3 =	vsel vm4, $0x3100, v3;
	v4 =	vsel vm4, $0x5100, v4  }
0x16: {  	s3 =	simm.s32 $0x0;
	s10 =	simm.s32 $0x200;
	s11 =	simm.s32 $0x16200;
	v5 =	vsel vm4, $0x7100, v5;
	v2 =	vsel vm3, $0x1180, v0;
	v0 =	vmul.u32 $0x80, v1  }
0x17: {  	s12 =	simm.s32 $0xC;
	s13 =	simm.s32 $0x0;
	s6 =	sand.u32 $0x1, s6;
	v3 =	vsel vm3, $0x3180, v3;
	v4 =	vsel vm3, $0x5180, v4;
	v5 =	vsel vm3, $0x7180, v5  }
0x18: {  	s7 =	sshll.u32 s2, $0x1;
	[smem:$0x7FF] =	sst s3;
	s8 =	ssub.s32 $0x2, s6;
	v1 =	vsel vm2, $0x1200, v2;
	v3 =	vsel vm2, $0x3200, v3;
	v6 =	vsel vm2, $0x5200, v4  }
0x19: {  	s6 =	sor.u32 s6, s7;
	_ =	strace $0x80000047;
	s7 =	simm.s32 $0x400;
	v5 =	vsel vm2, $0x7200, v5;
	v1 =	vsel vm1, $0x1280, v1;
	v2 =	vor.u32 $0x800, v0  }
0x1a: {  	s31 =	sshrl.u32 s8, $0x1;
	s9 =	sshll.u32 s6, $0x6;
	s6 =	sshll.u32 s6, $0x9;
	v3 =	vsel vm1, $0x3280, v3;
	v4 =	vor.u32 $0x1000, v0;
	v6 =	vsel vm1, $0x5280, v6  }
0x1b: {  	s8 =	ssub.s32 s8, s31;
	s4 =	sadd.s32 s4, s9;
	s5 =	sadd.s32 s5, s6;
	v7 =	vsel vm1, $0x7280, v5;
	v1 =	vsel vm0, $0x1300, v1;
	v3 =	vsel vm0, $0x3300, v3  }
0x1c: {  	s6 =	simm.s32 $0xD;
	s9 =	simm.s32 $0x7A1400;
	s8 =	smax.u32 s8, $0x1;
	v5 =	vsel vm0, $0x5300, v6;
	v6 =	vor.u32 $0x1800, v0;
	v7 =	vsel vm0, $0x7300, v7  }
.LBB2_1:
0x1d: {  	v8 =	vmov s3  }
0x1e: {  	[tilespmem:s3], [sflag:$0xD] =	stream.linear.gather [hbm4b:s4+s3], $0x200, $0x38;
	[tilespmem:$0x1E200] =	vst v63  }
0x1f: {  	_ =	swait.ge [sflag:s6], $0x200  }
0x20: {  	[sflag:s6] =	ssyncset.done $0x0  }
0x21: {  	[sflag:s6] =	ssyncadd.s32 $0xFFFFFE00  }
0x22: {  	v8 =	vld.idx.msk [tilespmem:v8+s3+$0x0], $0xffff;
	_ =	sdelay $0x4  }
0x23: {  	v8 =	vxor.u32 $0x80000000, v8  }
0x24: {  	(xrf0) =	vmax.scan.msk.u32 $0xffff, v8;
	_ =	sdelay $0x5  }
0x25: {  	v8, _, _ =	vpop (xrf0)  }
0x26: {  	(v2sf) =	vpush v8, $0xF;
	_ =	sdelay $0xc  }
0x27: {  	s14 =	simm.s32 $0x1  }
0x28: {  	v8 =	vmov s14  }
0x29: {  	s30 =	spop (v2sf)  }
0x2a: {  	s14 =	sand.u32 $0x1FFFFF80, s30  }
0x2b: {  	s15 =	simm.s32 $0x1;
	s14 =	sadd.s32 s0, s14  }
0x2c: {  	[tilespmem:s10], [sflag:s15] =	stream.strided.gather [hbm4b:s14+s7], $0x2000, s9, s7, $0x38;
	[tilespmem:$0x1E200] =	vst v63  }
0x2d: {  	v8 =	vld.idx.msk [tilespmem:v8+s3+$0x0], $0xffff;
	_ =	sdelay $0x4  }
0x2e: {  	v8 =	vxor.u32 $0x80000000, v8  }
0x2f: {  	(xrf0) =	vmax.scan.msk.u32 $0xffff, v8;
	_ =	sdelay $0x5  }
0x30: {  	v8, _, _ =	vpop (xrf0)  }
0x31: {  	(v2sf) =	vpush v8, $0xF;
	_ =	sdelay $0xc  }
0x32: {  	s31 =	simm.s32 $0x2  }
0x33: {  	s17 =	simm.s32 $0x3;
	s16 =	simm.s32 $0x200;
	v8 =	vmov s31  }
.LBB2_2:
0x34: {  	p0 =	sne.s32 s17, $0xA;
	s14 =	spop (v2sf)  }
0x35: {  	s16 =	sadd.s32 $0x2000, s16;
	s18 =	sand.u32 $0x1FFFFF80, s14  }
0x36: {  	s15 =	sadd.s32 $0x1, s15;
	s14 =	simm.s32 $0x0;
	s18 =	sadd.s32 s0, s18  }
0x37: {  	[tilespmem:s16], [sflag:s15] =	stream.strided.gather [hbm4b:s18+s7], $0x2000, s9, s7, $0x38;
	[tilespmem:$0x1E200] =	vst v63  }
0x38: {  	v8 =	vld.idx.msk [tilespmem:v8+s14+$0x0], $0xffff;
	_ =	sdelay $0x5  }
0x39: {  	v8 =	vxor.u32 $0x80000000, v8  }
0x3a: {  	(xrf0) =	vmax.scan.msk.u32 $0xffff, v8;
	_ =	sdelay $0x5  }
0x3b: {  	v8, _, _ =	vpop (xrf0)  }
0x3c: {  	(v2sf) =	vpush v8, $0xF;
	_ =	sdelay $0x9  }
.Ltmp0:
0x3d: {  	(pc) =	sbr.rel @p0 .LBB2_2-.Ltmp0, $2  }
0x3e: {  	_ =	sdelay $0x2  }
0x3f: {  	v8 =	vmov s17;
	s17 =	sadd.s32 $0x1, s17  }
0x40: {  	s17 =	spop (v2sf)  }
0x41: {  	s17 =	sand.u32 $0x1FFFFF80, s17  }
0x42: {  	s16 =	sadd.s32 $0x2000, s16;
	s15 =	sadd.s32 $0x1, s15;
	s17 =	sadd.s32 s0, s17  }
0x43: {  	[tilespmem:s16], [sflag:s15] =	stream.strided.gather [hbm4b:s17+s7], $0x2000, s9, s7, $0x38;
	[tilespmem:$0x1E200] =	vst v63  }
0x44: {  	v8 =	vld.idx.msk [tilespmem:v8+s14+$0x0], $0xffff;
	_ =	sdelay $0x4  }
0x45: {  	v8 =	vxor.u32 $0x80000000, v8  }
0x46: {  	(xrf0) =	vmax.scan.msk.u32 $0xffff, v8;
	_ =	sdelay $0x5  }
0x47: {  	v8, _, _ =	vpop (xrf0)  }
0x48: {  	(v2sf) =	vpush v8, $0xF;
	_ =	sdelay $0xc  }
0x49: {  	s21 =	simm.s32 $0x0  }
0x4a: {  	v8 =	vmov s21  }
0x4b: {  	s18 =	spop (v2sf)  }
0x4c: {  	s18 =	sand.u32 $0x1FFFFF80, s18  }
0x4d: {  	s16 =	sadd.s32 $0x2000, s16;
	s15 =	sadd.s32 $0x1, s15;
	s18 =	sadd.s32 s0, s18  }
0x4e: {  	[tilespmem:s16], [sflag:s15] =	stream.strided.gather [hbm4b:s18+s7], $0x2000, s9, s7, $0x38;
	[tilespmem:$0x1E200] =	vst v63  }
0x4f: {  	v8 =	vld.idx.msk [tilespmem:v8+s14+$0x0], $0xffff;
	_ =	sdelay $0x4  }
0x50: {  	v8 =	vxor.u32 $0x80000000, v8  }
0x51: {  	(xrf0) =	vmax.scan.msk.u32 $0xffff, v8;
	_ =	sdelay $0x5  }
0x52: {  	v8, _, _ =	vpop (xrf0)  }
0x53: {  	(v2sf) =	vpush v8, $0xF;
	_ =	sdelay $0x6  }
0x54: {  	s22 =	simm.s32 $0xB  }
0x55: {  	s23 =	smul.u32 $0xBA2F, s22;
	_ =	sdelay $0x1  }
0x56: {  	s24 =	sadd.s32 $0xFFF7FFFB, s23  }
0x57: {  	s18 =	sshrl.u32 s24, $0x13  }
0x58: {  	s18 =	smul.u32 $0xB, s18;
	_ =	sdelay $0x1  }
0x59: {  	s18 =	ssub.s32 $0x0, s18  }
0x5a: {  	s18 =	sand.u32 $0xFFFF, s18;
	s19 =	spop (v2sf)  }
0x5b: {  	s20 =	sshll.u32 s18, $0xD;
	s19 =	sand.u32 $0x7F, s19  }
0x5c: {  	s19 =	sor.u32 s20, s19  }
0x5d: {  	v8 =	vor.u32 s19, v0  }
0x5e: {  	s18 =	sadd.s32 $0x1, s18  }
0x5f: {  	_ =	swait.ge [sflag:s18], $0x2000  }
0x60: {  	s25 =	sand.u32 $0xC00, s14;
	s17 =	sand.u32 $0x7F, s21;
	[sflag:s18] =	ssyncset.done $0x0  }
0x61: {  	s17 =	sor.u32 s17, s25;
	[sflag:s18] =	ssyncadd.s32 $0xFFFFE000  }
0x62: {  	v9 =	vor.u32 s17, v1;
	v8 =	vld.idx.msk [tilespmem:v8+s10+$0x0], $0xffff  }
0x63: {  	v10 =	vor.u32 s19, v2;
	_ =	sdelay $0x3  }
0x64: {  	[tilespmem:v9+s11+$0x0] =	vst.idx.msk $0xffff, v8  }
0x65: {  	v9 =	vor.u32 s17, v3;
	v8 =	vld.idx.msk [tilespmem:v10+s10+$0x0], $0xffff  }
0x66: {  	v10 =	vor.u32 s19, v4;
	_ =	sdelay $0x3  }
0x67: {  	[tilespmem:v9+s11+$0x0] =	vst.idx.msk $0xffff, v8  }
0x68: {  	v9 =	vor.u32 s17, v5;
	v8 =	vld.idx.msk [tilespmem:v10+s10+$0x0], $0xffff  }
0x69: {  	v10 =	vor.u32 s19, v6;
	_ =	sdelay $0x3  }
0x6a: {  	[tilespmem:v9+s11+$0x0] =	vst.idx.msk $0xffff, v8  }
0x6b: {  	v9 =	vor.u32 s17, v7;
	v8 =	vld.idx.msk [tilespmem:v10+s10+$0x0], $0xffff  }
0x6c: {  	v10 =	vmov s22;
	_ =	sdelay $0x3  }
0x6d: {  	[tilespmem:v9+s11+$0x0] =	vst.idx.msk $0xffff, v8  }
0x6e: {  	v8 =	vld.idx.msk [tilespmem:v10+s14+$0x0], $0xffff;
	_ =	sdelay $0x4  }
0x6f: {  	v8 =	vxor.u32 $0x80000000, v8  }
0x70: {  	(xrf0) =	vmax.scan.msk.u32 $0xffff, v8;
	_ =	sdelay $0x5  }
0x71: {  	v8, _, _ =	vpop (xrf0)  }
0x72: {  	(v2sf) =	vpush v8, $0xF;
	_ =	sdelay $0x5  }
0x73: {  	s16 =	sshrl.u32 s23, $0x13  }
0x74: {  	s15 =	simm.s32 $0xC;
	s16 =	smul.u32 $0xB, s16  }
0x75: {  	s26 =	smul.u32 $0xBA2F, s15;
	_ =	sdelay $0x1  }
0x76: {  	s24 =	simm.s32 $0x1;
	s16 =	ssub.s32 $0xB, s16;
	s28 =	sadd.s32 $0xFFF7FFFB, s26  }
0x77: {  	s30 =	sand.u32 $0x7F, s24;
	s21 =	sand.u32 $0xFFFF, s16;
	s29 =	sshrl.u32 s28, $0x13  }
0x78: {  	s23 =	sshll.u32 s21, $0xD;
	s16 =	smul.u32 $0xB, s29;
	s17 =	sshrl.u32 s26, $0x13  }
0x79: {  	s21 =	sadd.s32 $0x1, s21;
	s19 =	simm.s32 $0x8;
	s17 =	smul.u32 $0xB, s17  }
0x7a: {  	s23 =	sor.u32 $0x200, s23;
	s16 =	ssub.s32 $0x1, s16;
	s25 =	sand.u32 $0xC00, s19;
	v8 =	vmov s24  }
0x7b: {  	s20 =	sor.u32 s30, s25;
	s17 =	ssub.s32 $0xC, s17;
	s31 =	spop (v2sf)  }
0x7c: {  	s22 =	sand.u32 $0xFFFF, s16;
	s16 =	sand.u32 $0xFFFF, s17;
	s25 =	sand.u32 $0x1FFFFF80, s31  }
0x7d: {  	s18 =	simm.s32 $0xD;
	s17 =	sshll.u32 s16, $0xD;
	s24 =	sadd.s32 s0, s25  }
.LBB2_4:
0x7e: {  	[tilespmem:s23], [sflag:s21] =	stream.strided.gather [hbm4b:s24+s7], $0x2000, s9, s7, $0x38;
	[tilespmem:$0x1E200] =	vst v63  }
0x7f: {  	p0 =	sne.s32 s18, $0x1FF;
	s21 =	smov.u32 s18;
	s18 =	sadd.s32 $0x1, s18;
	v8 =	vld.idx.msk [tilespmem:v8+s14+$0x0], $0xffff  }
0x80: {  	_ =	sdelay $0x4  }
0x81: {  	v8 =	vxor.u32 $0x80000000, v8  }
0x82: {  	(xrf0) =	vmax.scan.msk.u32 $0xffff, v8;
	_ =	sdelay $0x5  }
0x83: {  	v8, _, _ =	vpop (xrf0)  }
0x84: {  	(v2sf) =	vpush v8, $0xF;
	_ =	sdelay $0xe  }
0x85: {  	s23 =	spop (v2sf)  }
0x86: {  	s24 =	sshll.u32 s22, $0xD;
	s23 =	sand.u32 $0x7F, s23  }
0x87: {  	s23 =	sor.u32 s24, s23  }
0x88: {  	v8 =	vor.u32 s23, v0  }
0x89: {  	s22 =	sadd.s32 $0x1, s22  }
0x8a: {  	_ =	swait.ge [sflag:s22], $0x2000  }
0x8b: {  	[sflag:s22] =	ssyncset.done $0x0  }
0x8c: {  	[sflag:s22] =	ssyncadd.s32 $0xFFFFE000  }
0x8d: {  	v8 =	vld.idx.msk [tilespmem:v8+s10+$0x0], $0xffff  }
0x8e: {  	v9 =	vor.u32 s20, v1  }
0x8f: {  	v10 =	vor.u32 s23, v2;
	_ =	sdelay $0x3  }
0x90: {  	[tilespmem:v9+s11+$0x0] =	vst.idx.msk $0xffff, v8  }
0x91: {  	v8 =	vld.idx.msk [tilespmem:v10+s10+$0x0], $0xffff  }
0x92: {  	v9 =	vor.u32 s20, v3  }
0x93: {  	v10 =	vor.u32 s23, v4;
	_ =	sdelay $0x3  }
0x94: {  	[tilespmem:v9+s11+$0x0] =	vst.idx.msk $0xffff, v8  }
0x95: {  	v8 =	vld.idx.msk [tilespmem:v10+s10+$0x0], $0xffff  }
0x96: {  	v9 =	vor.u32 s20, v5  }
0x97: {  	v10 =	vor.u32 s23, v6;
	_ =	sdelay $0x3  }
0x98: {  	[tilespmem:v9+s11+$0x0] =	vst.idx.msk $0xffff, v8  }
0x99: {  	v8 =	vld.idx.msk [tilespmem:v10+s10+$0x0], $0xffff  }
0x9a: {  	v9 =	vor.u32 s20, v7  }
0x9b: {  	v10 =	vmov s15;
	s15 =	smov.u32 s21;
	_ =	sdelay $0x3  }
0x9c: {  	[tilespmem:v9+s11+$0x0] =	vst.idx.msk $0xffff, v8  }
0x9d: {  	v8 =	vld.idx.msk [tilespmem:v10+s14+$0x0], $0xffff;
	_ =	sdelay $0x5  }
0x9e: {  	v8 =	vxor.u32 $0x80000000, v8  }
0x9f: {  	(xrf0) =	vmax.scan.msk.u32 $0xffff, v8;
	_ =	sdelay $0x5  }
0xa0: {  	v8, _, _ =	vpop (xrf0)  }
0xa1: {  	(v2sf) =	vpush v8, $0xF;
	_ =	sdelay $0x7  }
0xa2: {  	s20 =	smul.u32 $0xBA2F, s15;
	_ =	sdelay $0x1  }
0xa3: {  	s21 =	sadd.s32 $0xFFF7FFFB, s20;
	s20 =	sshrl.u32 s20, $0x13  }
0xa4: {  	s21 =	sshrl.u32 s21, $0x13;
	s20 =	smul.u32 $0xB, s20  }
0xa5: {  	s19 =	sadd.s32 $0x8, s19;
	s21 =	smul.u32 $0xB, s21  }
.Ltmp1:
0xa6: {  	s22 =	sadd.s32 $0xFFFFFFF5, s15;
	s23 =	ssub.s32 s15, s20;
	(pc) =	sbr.rel @p0 .LBB2_4-.Ltmp1, $4  }
0xa7: {  	s24 =	sand.u32 $0xC00, s19;
	s20 =	ssub.s32 s22, s21;
	s21 =	sand.u32 $0x7F, s22;
	v8 =	vmov s22  }
0xa8: {  	s22 =	sand.u32 $0xFFFF, s20;
	s20 =	sor.u32 s21, s24;
	s21 =	spop (v2sf)  }
0xa9: {  	s24 =	sand.u32 $0x1FFFFF80, s21;
	s21 =	sadd.s32 $0x1, s16;
	s16 =	sand.u32 $0xFFFF, s23  }
0xaa: {  	s23 =	sor.u32 $0x200, s17;
	s17 =	sshll.u32 s16, $0xD;
	s24 =	sadd.s32 s0, s24  }
0xab: {  	_ =	sdelay $0x2  }
0xac: {  	[tilespmem:s23], [sflag:s21] =	stream.strided.gather [hbm4b:s24+s7], $0x2000, s9, s7, $0x38;
	[tilespmem:$0x1E200] =	vst v63  }
0xad: {  	v8 =	vld.idx.msk [tilespmem:v8+s14+$0x0], $0xffff;
	_ =	sdelay $0x4  }
0xae: {  	v8 =	vxor.u32 $0x80000000, v8  }
0xaf: {  	(xrf0) =	vmax.scan.msk.u32 $0xffff, v8;
	_ =	sdelay $0x5  }
0xb0: {  	v8, _, _ =	vpop (xrf0)  }
0xb1: {  	(v2sf) =	vpush v8, $0xF;
	_ =	sdelay $0xe  }
0xb2: {  	s18 =	spop (v2sf)  }
0xb3: {  	s19 =	sshll.u32 s22, $0xD;
	s18 =	sand.u32 $0x7F, s18  }
0xb4: {  	s18 =	sor.u32 s19, s18  }
0xb5: {  	v8 =	vor.u32 s18, v0  }
0xb6: {  	s22 =	sadd.s32 $0x1, s22  }
0xb7: {  	_ =	swait.ge [sflag:s22], $0x2000  }
0xb8: {  	[sflag:s22] =	ssyncset.done $0x0  }
0xb9: {  	[sflag:s22] =	ssyncadd.s32 $0xFFFFE000  }
0xba: {  	v9 =	vor.u32 s20, v1;
	v8 =	vld.idx.msk [tilespmem:v8+s10+$0x0], $0xffff  }
0xbb: {  	v10 =	vor.u32 s18, v2;
	_ =	sdelay $0x3  }
0xbc: {  	[tilespmem:v9+s11+$0x0] =	vst.idx.msk $0xffff, v8  }
0xbd: {  	v9 =	vor.u32 s20, v3;
	v8 =	vld.idx.msk [tilespmem:v10+s10+$0x0], $0xffff  }
0xbe: {  	v10 =	vor.u32 s18, v4;
	_ =	sdelay $0x3  }
0xbf: {  	[tilespmem:v9+s11+$0x0] =	vst.idx.msk $0xffff, v8  }
0xc0: {  	v9 =	vor.u32 s20, v5;
	v8 =	vld.idx.msk [tilespmem:v10+s10+$0x0], $0xffff  }
0xc1: {  	v10 =	vor.u32 s18, v6;
	_ =	sdelay $0x3  }
0xc2: {  	[tilespmem:v9+s11+$0x0] =	vst.idx.msk $0xffff, v8  }
0xc3: {  	v9 =	vor.u32 s20, v7;
	v8 =	vld.idx.msk [tilespmem:v10+s10+$0x0], $0xffff  }
0xc4: {  	v10 =	vmov s15;
	_ =	sdelay $0x3  }
0xc5: {  	[tilespmem:v9+s11+$0x0] =	vst.idx.msk $0xffff, v8  }
0xc6: {  	v8 =	vld.idx.msk [tilespmem:v10+s14+$0x0], $0xffff;
	_ =	sdelay $0x4  }
0xc7: {  	v8 =	vxor.u32 $0x80000000, v8  }
0xc8: {  	(xrf0) =	vmax.scan.msk.u32 $0xffff, v8;
	_ =	sdelay $0x5  }
0xc9: {  	v8, _, _ =	vpop (xrf0)  }
0xca: {  	(v2sf) =	vpush v8, $0xF;
	_ =	sdelay $0xd  }
0xcb: {  	s23 =	simm.s32 $0x1F5  }
0xcc: {  	v8 =	vmov s23;
	s24 =	spop (v2sf)  }
0xcd: {  	s14 =	sand.u32 $0x1FFFFF80, s24  }
0xce: {  	s16 =	sadd.s32 $0x1, s16;
	s17 =	sor.u32 $0x200, s17;
	s14 =	sadd.s32 s0, s14  }
0xcf: {  	[tilespmem:s17], [sflag:s16] =	stream.strided.gather [hbm4b:s14+s7], $0x2000, s9, s7, $0x38;
	[tilespmem:$0x1E200] =	vst v63  }
0xd0: {  	s14 =	simm.s32 $0x0  }
0xd1: {  	v8 =	vld.idx.msk [tilespmem:v8+s14+$0x0], $0xffff;
	_ =	sdelay $0x4  }
0xd2: {  	v8 =	vxor.u32 $0x80000000, v8  }
0xd3: {  	(xrf0) =	vmax.scan.msk.u32 $0xffff, v8;
	_ =	sdelay $0x5  }
0xd4: {  	v8, _, _ =	vpop (xrf0)  }
0xd5: {  	(v2sf) =	vpush v8, $0xF;
	_ =	sdelay $0x8  }
0xd6: {  	s15 =	smul.u32 $0xBA2F, s23;
	_ =	sdelay $0x1  }
0xd7: {  	s15 =	sshrl.u32 s15, $0x13  }
0xd8: {  	s15 =	smul.u32 $0xB, s15;
	_ =	sdelay $0x1  }
0xd9: {  	s15 =	ssub.s32 $0x1F5, s15  }
0xda: {  	s15 =	sand.u32 $0xFFFF, s15;
	s25 =	spop (v2sf)  }
0xdb: {  	s26 =	sshll.u32 s15, $0xD;
	s16 =	sand.u32 $0x7F, s25  }
0xdc: {  	s16 =	sor.u32 s26, s16  }
0xdd: {  	v8 =	vor.u32 s16, v0  }
0xde: {  	s15 =	sadd.s32 $0x1, s15  }
0xdf: {  	s28 =	simm.s32 $0xFA8;
	_ =	swait.ge [sflag:s15], $0x2000  }
0xe0: {  	s17 =	sand.u32 $0xFFFFFC00, s28;
	[sflag:s15] =	ssyncset.done $0x0  }
0xe1: {  	s29 =	sadd.s32 $0x75, s17;
	[sflag:s15] =	ssyncadd.s32 $0xFFFFE000  }
0xe2: {  	v9 =	vor.u32 s29, v1;
	v8 =	vld.idx.msk [tilespmem:v8+s10+$0x0], $0xffff  }
0xe3: {  	v10 =	vor.u32 s16, v2;
	_ =	sdelay $0x3  }
0xe4: {  	[tilespmem:v9+s11+$0x0] =	vst.idx.msk $0xffff, v8  }
0xe5: {  	v9 =	vor.u32 s29, v3;
	v8 =	vld.idx.msk [tilespmem:v10+s10+$0x0], $0xffff  }
0xe6: {  	v10 =	vor.u32 s16, v4;
	_ =	sdelay $0x3  }
0xe7: {  	[tilespmem:v9+s11+$0x0] =	vst.idx.msk $0xffff, v8  }
0xe8: {  	v9 =	vor.u32 s29, v5;
	v8 =	vld.idx.msk [tilespmem:v10+s10+$0x0], $0xffff  }
0xe9: {  	v10 =	vor.u32 s16, v6;
	_ =	sdelay $0x3  }
0xea: {  	s20 =	simm.s32 $0x1F6;
	[tilespmem:v9+s11+$0x0] =	vst.idx.msk $0xffff, v8  }
0xeb: {  	s30 =	smul.u32 $0xBA2F, s20;
	v8 =	vld.idx.msk [tilespmem:v10+s10+$0x0], $0xffff;
	v10 =	vor.u32 s29, v7  }
0xec: {  	v9 =	vmov s20  }
0xed: {  	s31 =	sshrl.u32 s30, $0x13  }
0xee: {  	s19 =	simm.s32 $0x0;
	s18 =	simm.s32 $0x1;
	s21 =	smul.u32 $0xB, s31  }
0xef: {  	s17 =	simm.s32 $0xFB8;
	s15 =	simm.s32 $0x75;
	s16 =	simm.s32 $0xFB0  }
.LBB2_6:
0xf0: {  	p0 =	sne.s32 s17, $0xFF8;
	[tilespmem:v10+s11+$0x0] =	vst.idx.msk $0xffff, v8;
	s15 =	sadd.s32 $0x1, s15;
	s22 =	smov.u32 s17  }
0xf1: {  	s17 =	sadd.s32 $0x8, s17;
	v8 =	vld.idx.msk [tilespmem:v9+s19+$0x0], $0xffff;
	s20 =	ssub.s32 s20, s21;
	s19 =	smov.u32 s14  }
0xf2: {  	s20 =	sand.u32 $0xFFFF, s20  }
0xf3: {  	s21 =	sadd.s32 $0x1, s20;
	_ =	sdelay $0x3  }
0xf4: {  	v8 =	vxor.u32 $0x80000000, v8  }
0xf5: {  	(xrf0) =	vmax.scan.msk.u32 $0xffff, v8;
	_ =	sdelay $0x5  }
0xf6: {  	v8, _, _ =	vpop (xrf0)  }
0xf7: {  	(v2sf) =	vpush v8, $0xF;
	_ =	sdelay $0xe  }
0xf8: {  	s23 =	spop (v2sf)  }
0xf9: {  	s20 =	sshll.u32 s20, $0xD;
	s23 =	sand.u32 $0x7F, s23  }
0xfa: {  	s20 =	sor.u32 s20, s23  }
0xfb: {  	v8 =	vor.u32 s20, v0;
	_ =	sdelay $0x1  }
0xfc: {  	_ =	swait.ge [sflag:s21], $0x2000  }
0xfd: {  	[sflag:s21] =	ssyncset.done $0x0  }
0xfe: {  	s23 =	sand.u32 $0xFFFFFC00, s16;
	s16 =	smov.u32 s22;
	[sflag:s21] =	ssyncadd.s32 $0xFFFFE000  }
0xff: {  	s21 =	sadd.s32 s23, s15;
	v8 =	vld.idx.msk [tilespmem:v8+s10+$0x0], $0xffff  }
0x100: {  	v9 =	vor.u32 s21, v1  }
0x101: {  	v10 =	vor.u32 s20, v2;
	_ =	sdelay $0x3  }
0x102: {  	[tilespmem:v9+s11+$0x0] =	vst.idx.msk $0xffff, v8  }
0x103: {  	v8 =	vld.idx.msk [tilespmem:v10+s10+$0x0], $0xffff  }
0x104: {  	v9 =	vor.u32 s21, v3  }
0x105: {  	v10 =	vor.u32 s20, v4;
	_ =	sdelay $0x3  }
0x106: {  	[tilespmem:v9+s11+$0x0] =	vst.idx.msk $0xffff, v8  }
0x107: {  	v8 =	vld.idx.msk [tilespmem:v10+s10+$0x0], $0xffff  }
0x108: {  	v9 =	vor.u32 s21, v5  }
0x109: {  	v10 =	vor.u32 s20, v6;
	_ =	sdelay $0x3  }
0x10a: {  	[tilespmem:v9+s11+$0x0] =	vst.idx.msk $0xffff, v8  }
0x10b: {  	s18 =	sadd.s32 $0x1, s18;
	v8 =	vld.idx.msk [tilespmem:v10+s10+$0x0], $0xffff  }
.Ltmp2:
0x10c: {  	s20 =	sadd.s32 $0x1F5, s18;
	v10 =	vor.u32 s21, v7;
	(pc) =	sbr.rel @p0 .LBB2_6-.Ltmp2, $3  }
0x10d: {  	v9 =	vmov s20;
	s21 =	smul.u32 $0xBA2F, s20;
	_ =	sdelay $0x1  }
0x10e: {  	s21 =	sshrl.u32 s21, $0x13  }
0x10f: {  	s21 =	smul.u32 $0xB, s21  }
0x110: {  	_ =	sdelay $0x3  }
0x111: {  	[tilespmem:v10+s11+$0x0] =	vst.idx.msk $0xffff, v8  }
0x112: {  	v8 =	vld.idx.msk [tilespmem:v9+s19+$0x0], $0xffff;
	_ =	sdelay $0x4  }
0x113: {  	v8 =	vxor.u32 $0x80000000, v8  }
0x114: {  	(xrf0) =	vmax.scan.msk.u32 $0xffff, v8;
	_ =	sdelay $0x5  }
0x115: {  	v8, _, _ =	vpop (xrf0)  }
0x116: {  	(v2sf) =	vpush v8, $0xF;
	_ =	sdelay $0xd  }
0x117: {  	s17 =	ssub.s32 s20, s21  }
0x118: {  	s17 =	sand.u32 $0xFFFF, s17;
	s18 =	spop (v2sf)  }
0x119: {  	s29 =	sshll.u32 s17, $0xD;
	s18 =	sand.u32 $0x7F, s18  }
0x11a: {  	s18 =	sor.u32 s29, s18  }
0x11b: {  	v8 =	vor.u32 s18, v0  }
0x11c: {  	s17 =	sadd.s32 $0x1, s17  }
0x11d: {  	_ =	swait.ge [sflag:s17], $0x2000  }
0x11e: {  	s15 =	sadd.s32 $0x1, s15;
	s16 =	sand.u32 $0xFFFFFC00, s16;
	[sflag:s17] =	ssyncset.done $0x0  }
0x11f: {  	s15 =	sadd.s32 s16, s15;
	[sflag:s17] =	ssyncadd.s32 $0xFFFFE000  }
0x120: {  	v57 =	vor.u32 s15, v1;
	v8 =	vld.idx.msk [tilespmem:v8+s10+$0x0], $0xffff  }
0x121: {  	v58 =	vor.u32 s18, v2;
	_ =	sdelay $0x3  }
0x122: {  	[tilespmem:v57+s11+$0x0] =	vst.idx.msk $0xffff, v8  }
0x123: {  	v59 =	vor.u32 s15, v3;
	v8 =	vld.idx.msk [tilespmem:v58+s10+$0x0], $0xffff  }
0x124: {  	v60 =	vor.u32 s18, v4;
	_ =	sdelay $0x3  }
0x125: {  	[tilespmem:v59+s11+$0x0] =	vst.idx.msk $0xffff, v8  }
0x126: {  	v61 =	vor.u32 s15, v5;
	v8 =	vld.idx.msk [tilespmem:v60+s10+$0x0], $0xffff  }
0x127: {  	v62 =	vor.u32 s18, v6;
	_ =	sdelay $0x3  }
0x128: {  	[tilespmem:v61+s11+$0x0] =	vst.idx.msk $0xffff, v8  }
0x129: {  	v63 =	vor.u32 s15, v7;
	v8 =	vld.idx.msk [tilespmem:v62+s10+$0x0], $0xffff;
	_ =	sdelay $0x2  }
0x12a: {  	s30 =	sand.u32 $0x180, s14  }
0x12b: {  	s31 =	sand.u32 $0x1C000, s14;
	s14 =	simm.s32 $0x80;
	s16 =	sadd.s32 s30, s5  }
0x12c: {  	s15 =	simm.s32 $0x1000;
	s16 =	sadd.s32 s31, s16;
	s17 =	simm.s32 $0x16200;
	[tilespmem:v63+s11+$0x0] =	vst.idx.msk $0xffff, v8  }
.LBB2_8:
0x12d: {  	[hbm4b:s16+s3] =	stream.linear.scatter [tilespmem:s17], [sflag:$0xC], $0x400, $0x38;
	[tilespmem:$0x1E200] =	vst v63  }
0x12e: {  	s16 =	smov.u32 s15;
	p0 =	sne.s32 s15, $0x1F000  }
.Ltmp3:
0x12f: {  	s15 =	sadd.s32 $0x1000, s15;
	(pc) =	sbr.rel @p0 .LBB2_8-.Ltmp3, $4  }
0x130: {  	_ = 	snop  }
0x131: {  	s17 =	sand.u32 $0x180, s14  }
0x132: {  	s18 =	sand.u32 $0x1C000, s16;
	s17 =	sadd.s32 s17, s5;
	s19 =	sshra.s32 s16, $0x2  }
0x133: {  	s14 =	sadd.s32 $0x80, s14;
	s16 =	sadd.s32 s18, s17;
	s17 =	sadd.s32 $0x16200, s19  }
0x134: {  	s13 =	sadd.s32 $0x1, s13  }
0x135: {  	p0 =	sne.s32 s13, s8  }
.Ltmp4:
0x136: {  	_ = 	snop;
	(pc) =	sbr.rel @p0 .LBB2_1-.Ltmp4, $4  }
0x137: {  	[hbm4b:s16+s3] =	stream.linear.scatter [tilespmem:s17], [sflag:$0xC], $0x400, $0x38;
	[tilespmem:$0x1E200] =	vst v63  }
0x138: {  	_ =	swait.ge [sflag:s12], $0x1000  }
0x139: {  	[sflag:s12] =	ssyncset.done $0x0  }
0x13a: {  	[sflag:s12] =	ssyncadd.s32 $0xFFFFF000  }
0x13b: {  	_ =	sfence.sel $0x180000  }
0x13c: {  	[bflag:$0x0] =	sbarrier.arrive $0xFFFF  }
0x13d: {  	p0 =	sne.s32 s2, $0x0;
	_ =	strace $0x90000047  }
0x13e: {  	s0 =	sadd.s32 @!p0 $0x100000, s1;
	[bflag:$0x2] =	sbarrier.arrive $0xFFFF  }
0x13f: {  	[sflag:s0] =	ssyncadd.tile.s32 @!p0 $0x1;
	_ =	shalt  }
.Lfunc_end2:
_tile_overlayer_lowered:
.L_overlay_start_2:
0x140: {  	(tag) =	ssettag $0x2  }
0x141: {  	s0 =	rddreg [dreg:$0x0];
	s2 =	stileid.u32  }
0x142: {  	s1 =	rddreg [dreg:$0x1];
	p0 =	sne.s32 s2, $0x0  }
0x143: {  	s3 =	rddreg [dreg:$0x2];
	[bflag:$0x3] =	sbarrier.arrive $0xFFFF;
	s2 =	simm.s32 @!p0 $0x1C0D  }
0x144: {  	[timem:s3], [sflag:s2] =	dma.local @!p0 [hbm:s0], s1  }
0x145: {  	s0 =	simm.s32 @!p0 $0xD  }
0x146: {  	_ =	swait.ge @!p0 [sflag:s0], s1  }
0x147: {  	s1 =	ssub.s32 @!p0 $0x0, s1;
	[sflag:s0] =	ssyncset.done @!p0 $0x0  }
0x148: {  	[sflag:s0] =	ssyncadd.s32 @!p0 s1  }
0x149: {  	[bflag:$0x3] =	sbarrier.arrive $0xFFFF  }
0x14a: {  	_ =	shalt  }

</sc_bundles>
